<compile_context>
chip_gen: v7x
topology: tpu7x:2x2x1
jax: 0.10.2.dev20260603
libtpu: 0.0.44.dev20260713+nightly
codegen_flags: <defaults>
</compile_context>

<pallas_src>
import functools

import jax
import jax.numpy as jnp
from jax import lax
from jax.experimental import pallas as pl
from jax.experimental.pallas import tpu as pltpu
from jax.experimental.pallas import tpu_sc as plsc


def _sc_gather(table, idx2d):
    rows_total = idx2d.shape[0] // 128
    d = table.shape[1]
    n_workers = 32
    rows_w = rows_total // n_workers
    streams = 5
    chunk_rows = streams * 128
    n_chunks = rows_w // streams
    n = rows_total * 128

    mesh = plsc.VectorSubcoreMesh(core_axis_name="c", subcore_axis_name="s")

    @functools.partial(
        pl.kernel,
        mesh=mesh,
        out_type=jax.ShapeDtypeStruct((n, d), table.dtype),
        scratch_types=[
            pltpu.VMEM((rows_w * 128,), jnp.int32),
            pltpu.VMEM((2 * chunk_rows, d), table.dtype),
            pltpu.SemaphoreType.DMA,
            pltpu.SemaphoreType.DMA,
        ],
        compiler_params=pltpu.CompilerParams(use_tc_tiling_on_sc=False),
    )
    def gather_kernel(idx_hbm, tab_hbm, out_hbm, idx_v, rows_v, sem_g, sem_s):
        wid = lax.axis_index("s") * 2 + lax.axis_index("c")
        out_base = wid * rows_w * 128
        pltpu.sync_copy(idx_hbm.at[pl.ds(out_base, rows_w * 128)], idx_v)

        def scatter_desc(i, cur):
            return pltpu.make_async_copy(
                rows_v.at[pl.ds(cur * chunk_rows, chunk_rows)],
                out_hbm.at[pl.ds(out_base + i * chunk_rows, chunk_rows)],
                sem_s)

        def body(i, carry):
            cur = lax.rem(i, 2)

            @pl.when(i >= 2)
            def _():
                scatter_desc(i - 2, cur).wait()

            handles = [
                pltpu.async_copy(
                    tab_hbm.at[idx_v.at[pl.ds((i * streams + j) * 128, 128)]],
                    rows_v.at[pl.ds(cur * chunk_rows + j * 128, 128)],
                    sem_g)
                for j in range(streams)
            ]
            for hnd in handles:
                hnd.wait()
            scatter_desc(i, cur).start()
            return carry

        lax.fori_loop(0, n_chunks, body, 0)
        scatter_desc(n_chunks - 2, (n_chunks - 2) % 2).wait()
        scatter_desc(n_chunks - 1, (n_chunks - 1) % 2).wait()

    return gather_kernel(idx2d, table)


def _sigmoid(x):
    return 0.5 * jnp.tanh(0.5 * x) + 0.5


_UT = 8


def _bilstm_body(xf_ref, xb_ref, wcf, wcb, wlfr, wlbr, blr,
                 outf, outb, xhf, xhb, cf, cb):
    i = pl.program_id(0)
    h = cf.shape[1]
    e = xf_ref.shape[2]

    @pl.when(i == 0)
    def _():
        col = lax.broadcasted_iota(jnp.int32, xhf.shape, 1)
        ones_col = jnp.where(col == h + e, 1.0, 0.0).astype(jnp.bfloat16)
        xhf[...] = ones_col
        xhb[...] = ones_col
        cf[...] = jnp.zeros_like(cf)
        cb[...] = jnp.zeros_like(cb)

    def step(x_blk, xh, wc, c_ref):
        xh[:, h:h + e] = x_blk.astype(jnp.bfloat16)
        g = jnp.dot(xh[...], wc[...], preferred_element_type=jnp.float32)
        ti = jnp.tanh(g[:, 0:h])
        tf_ = jnp.tanh(g[:, h:2 * h])
        tg = jnp.tanh(g[:, 2 * h:3 * h])
        to = jnp.tanh(g[:, 3 * h:4 * h])
        c_new = (0.5 * tf_ + 0.5) * c_ref[...] + (0.5 * ti + 0.5) * tg
        h_new = (0.5 * to + 0.5) * jnp.tanh(c_new)
        c_ref[...] = c_new
        hb16 = h_new.astype(jnp.bfloat16)
        xh[:, 0:h] = hb16
        return hb16

    for u in range(_UT):
        hfn = step(xf_ref[u], xhf, wcf, cf)
        outf[u] = (jnp.dot(hfn, wlfr[...], preferred_element_type=jnp.float32)
                   + blr[...]).astype(jnp.bfloat16)
        hbn = step(xb_ref[_UT - 1 - u], xhb, wcb, cb)
        outb[_UT - 1 - u] = jnp.dot(
            hbn, wlbr[...],
            preferred_element_type=jnp.float32).astype(jnp.bfloat16)


def _bilstm(x, wcat_f, wcat_b, wlf, wlb, blin2):
    t_len, b_sz, e = x.shape
    h = wcat_f.shape[1] // 4
    ncls = wlf.shape[1]

    nb = t_len // _UT
    full = lambda a: pl.BlockSpec(a.shape, lambda i: (0,) * a.ndim)
    outf, outb = pl.pallas_call(
        _bilstm_body,
        grid=(nb,),
        in_specs=[
            pl.BlockSpec((_UT, b_sz, e), lambda i: (i, 0, 0)),
            pl.BlockSpec((_UT, b_sz, e), lambda i: (nb - 1 - i, 0, 0)),
            full(wcat_f), full(wcat_b),
            full(wlf), full(wlb), full(blin2),
        ],
        out_specs=[
            pl.BlockSpec((_UT, b_sz, ncls), lambda i: (i, 0, 0)),
            pl.BlockSpec((_UT, b_sz, ncls), lambda i: (nb - 1 - i, 0, 0)),
        ],
        out_shape=[
            jax.ShapeDtypeStruct((t_len, b_sz, ncls), jnp.bfloat16),
            jax.ShapeDtypeStruct((t_len, b_sz, ncls), jnp.bfloat16),
        ],
        scratch_shapes=[
            pltpu.VMEM((b_sz, 2 * h), jnp.bfloat16),
            pltpu.VMEM((b_sz, 2 * h), jnp.bfloat16),
            pltpu.VMEM((b_sz, h), jnp.float32),
            pltpu.VMEM((b_sz, h), jnp.float32),
        ],
        compiler_params=pltpu.CompilerParams(
            dimension_semantics=("arbitrary",)),
    )(x, x, wcat_f, wcat_b, wlf, wlb, blin2)
    return outf, outb


def _combine_body(ncls, f_ref, b_ref, o_ref):
    s = f_ref[...].astype(jnp.float32) + b_ref[...].astype(jnp.float32)
    o_ref[...] = jnp.transpose(s, (1, 0, 2))[:, :, :ncls]


def _combine(outf, outb, ncls):
    t_len, b_sz, npad = outf.shape
    bb = 64
    return pl.pallas_call(
        functools.partial(_combine_body, ncls),
        grid=(b_sz // bb,),
        in_specs=[
            pl.BlockSpec((t_len, bb, npad), lambda i: (0, i, 0)),
            pl.BlockSpec((t_len, bb, npad), lambda i: (0, i, 0)),
        ],
        out_specs=pl.BlockSpec((bb, t_len, ncls), lambda i: (i, 0, 0)),
        out_shape=jax.ShapeDtypeStruct((b_sz, t_len, ncls), jnp.float32),
    )(outf, outb)


def kernel(inputs, emb, Wih_f, Whh_f, bih_f, bhh_f,
           Wih_b, Whh_b, bih_b, bhh_b, Wlin, blin):
    b_sz, t_len = inputs.shape
    e = emb.shape[1]
    h = Whh_f.shape[1]

    idx2d = inputs.T.reshape(-1).astype(jnp.int32)

    x = _sc_gather(emb, idx2d).reshape(t_len, b_sz, e)

    bf16 = lambda a: a.astype(jnp.bfloat16)
    ncls = Wlin.shape[0]
    npad = 64
    pad = lambda a: jnp.pad(a, ((0, 0), (0, npad - ncls)))

    def wcat(Wih, Whh, bih, bhh):
        g4 = Whh.shape[0]
        zrows = 2 * h - (h + e + 1)
        m = jnp.concatenate([
            Whh.T, Wih.T, (bih + bhh).reshape(1, -1),
            jnp.zeros((zrows, g4), jnp.float32),
        ], axis=0)
        col = jnp.arange(g4)
        s = jnp.where((col >= 2 * h) & (col < 3 * h), 1.0, 0.5)
        return bf16(m * s[None, :])

    outf, outb = _bilstm(
        x,
        wcat(Wih_f, Whh_f, bih_f, bhh_f),
        wcat(Wih_b, Whh_b, bih_b, bhh_b),
        bf16(pad(Wlin[:, :h].T)), bf16(pad(Wlin[:, h:].T)),
        pad(blin.reshape(1, -1)),
    )
    return _combine(outf, outb, ncls)

# --- scband reference (transcript-rebuilt; emitter-appended) ---
"""Pipeline reference for scband-model-3693671874832 (READ-ONLY COPY).

The authoritative reference and input builder live on the scoring server;
editing this copy changes nothing except your own understanding.
"""

import jax, jax.numpy as jnp
import numpy as np

VOCAB = 100000
EMB = 64
HID = 128
NCLS = 50
B, T = 1024, 200


def _lstm_dir(x_tbd, Wih, Whh, bih, bhh, reverse):
    Tn, Bn, _ = x_tbd.shape
    H = Whh.shape[1]
    xs = jnp.flip(x_tbd, axis=0) if reverse else x_tbd

    def step(carry, xt):
        h, c = carry
        gates = xt @ Wih.T + h @ Whh.T + bih + bhh
        i, f, g, o = jnp.split(gates, 4, axis=-1)
        i = jax.nn.sigmoid(i)
        f = jax.nn.sigmoid(f)
        g = jnp.tanh(g)
        o = jax.nn.sigmoid(o)
        c_new = f * c + i * g
        h_new = o * jnp.tanh(c_new)
        return (h_new, c_new), h_new

    h0 = jnp.zeros((Bn, H), x_tbd.dtype)
    c0 = jnp.zeros((Bn, H), x_tbd.dtype)
    _, hs = jax.lax.scan(step, (h0, c0), xs)
    return jnp.flip(hs, axis=0) if reverse else hs


def setup_inputs(seed: int = 0) -> dict:
    key = jax.random.key(seed)
    ks = jax.random.split(key, 12)
    s_emb = 1.0
    s_ih = 1.0 / np.sqrt(HID)
    inputs = jax.random.randint(ks[0], (B, T), 0, VOCAB, dtype=jnp.int64) if jax.config.jax_enable_x64 else jax.random.randint(ks[0], (B, T), 0, VOCAB, dtype=jnp.int32)
    return {
        'inputs': inputs,
        'emb': jax.random.normal(ks[1], (VOCAB, EMB), dtype=jnp.float32) * s_emb,
        'Wih_f': jax.random.uniform(ks[2], (4 * HID, EMB), jnp.float32, -s_ih, s_ih),
        'Whh_f': jax.random.uniform(ks[3], (4 * HID, HID), jnp.float32, -s_ih, s_ih),
        'bih_f': jax.random.uniform(ks[4], (4 * HID,), jnp.float32, -s_ih, s_ih),
        'bhh_f': jax.random.uniform(ks[5], (4 * HID,), jnp.float32, -s_ih, s_ih),
        'Wih_b': jax.random.uniform(ks[6], (4 * HID, EMB), jnp.float32, -s_ih, s_ih),
        'Whh_b': jax.random.uniform(ks[7], (4 * HID, HID), jnp.float32, -s_ih, s_ih),
        'bih_b': jax.random.uniform(ks[8], (4 * HID,), jnp.float32, -s_ih, s_ih),
        'bhh_b': jax.random.uniform(ks[9], (4 * HID,), jnp.float32, -s_ih, s_ih),
        'Wlin': jax.random.uniform(ks[10], (NCLS, 2 * HID), jnp.float32, -1.0 / np.sqrt(2 * HID), 1.0 / np.sqrt(2 * HID)),
        'blin': jax.random.uniform(ks[11], (NCLS,), jnp.float32, -1.0 / np.sqrt(2 * HID), 1.0 / np.sqrt(2 * HID)),
    }


def reference(inputs, emb, Wih_f, Whh_f, bih_f, bhh_f, Wih_b, Whh_b, bih_b, bhh_b, Wlin, blin):
    x = jnp.take(emb, inputs, axis=0)            # [B, T, 64]  (embedding gather)
    x = jnp.transpose(x, (1, 0, 2))              # [T, B, 64]
    hf = _lstm_dir(x, Wih_f, Whh_f, bih_f, bhh_f, reverse=False)
    hb = _lstm_dir(x, Wih_b, Whh_b, bih_b, bhh_b, reverse=True)
    h = jnp.concatenate([hf, hb], axis=-1)       # [T, B, 256]
    h = jnp.transpose(h, (1, 0, 2))              # [B, T, 256]
    return h @ Wlin.T + blin                     # [B, T, 50]

if __name__ == "__main__":
    import jax
    _d = setup_inputs()
    print(jax.jit(kernel)(*tuple(_d.values())))

</pallas_src>

<mosaic_0001>
#map = affine_map<(d0, d1) -> (0)>
#map1 = affine_map<(d0, d1) -> (0, 0)>
module attributes {stable_mosaic.version = 14 : i64} {
  func.func @gather_kernel(%arg0: i32, %arg1: i32, %arg2: memref<204800xi32, #tpu.memory_space<hbm>>, %arg3: memref<100000x64xf32, #tpu.memory_space<hbm>>, %arg4: memref<204800x64xf32, #tpu.memory_space<hbm>>, %arg5: memref<6400xi32, #tpu.memory_space<vmem>>, %arg6: memref<1280x64xf32, #tpu.memory_space<vmem>>, %arg7: memref<!tpu.dma_semaphore, #tpu.memory_space<semaphore_mem>>, %arg8: memref<!tpu.dma_semaphore, #tpu.memory_space<semaphore_mem>>) attributes {dimension_semantics = [#tpu.dimension_semantics<core_parallel>, #tpu.dimension_semantics<subcore_parallel>], iteration_bounds = array<i64: 2, 16>, scalar_prefetch = 0 : i64, scratch_operands = 4 : i64, tpu.core_type = #tpu.core_type<sc_vector_subcore>, window_params = [{transform_indices = #map}, {transform_indices = #map1}, {transform_indices = #map1}]} {
    %mul3A = arith.constant 2 : i32
    %mul3A_0 = arith.muli %arg1, %mul3A : i32
    %add3A = arith.addi %mul3A_0, %arg0 : i32
    %mul3A_1 = arith.constant 50 : i32
    %mul3A_2 = arith.muli %add3A, %mul3A_1 : i32
    %mul3A_3 = arith.constant 128 : i32
    %mul3A_4 = arith.muli %mul3A_2, %mul3A_3 : i32
    "tpu.region"() ({
      %run_scoped3A = tpu.sem_alloc : memref<!tpu.dma_semaphore, #tpu.memory_space<semaphore_mem>>
      %dma_start3A = tpu.memref_slice %arg2[%mul3A_4] : memref<204800xi32, #tpu.memory_space<hbm>> -> memref<6400xi32, #tpu.memory_space<hbm>>
      %dma_start3A_33 = tpu.memref_slice %arg2[%mul3A_4] : memref<204800xi32, #tpu.memory_space<hbm>> -> memref<6400xi32, #tpu.memory_space<hbm>>
      tpu.enqueue_dma source(%dma_start3A_33 : memref<6400xi32, #tpu.memory_space<hbm>>) target(%arg5 : memref<6400xi32, #tpu.memory_space<vmem>>) target_semaphore(%run_scoped3A : memref<!tpu.dma_semaphore, #tpu.memory_space<semaphore_mem>>)
      %dma_wait3A_34 = tpu.memref_slice %arg2[%mul3A_4] : memref<204800xi32, #tpu.memory_space<hbm>> -> memref<6400xi32, #tpu.memory_space<hbm>>
      %dma_wait3A_35 = tpu.memref_slice %arg2[%mul3A_4] : memref<204800xi32, #tpu.memory_space<hbm>> -> memref<6400xi32, #tpu.memory_space<hbm>>
      tpu.wait_dma2 semaphore(%run_scoped3A : memref<!tpu.dma_semaphore, #tpu.memory_space<semaphore_mem>>) src(%dma_wait3A_35 : memref<6400xi32, #tpu.memory_space<hbm>>) dst(%arg5 : memref<6400xi32, #tpu.memory_space<vmem>>)
      tpu.yield
    }) : () -> ()
    %scan3A = arith.constant 0 : i32
    %scan3A_5 = arith.constant 0 : i32
    %scan3A_6 = arith.constant 10 : i32
    %scan3A_7 = arith.addi %scan3A_5, %scan3A_6 : i32
    %scan3A_8 = arith.constant 1 : i32
    scf.for %scan3A_33 = %scan3A_5 to %scan3A_7 step %scan3A_8  : i32 {
      %rem3A = arith.constant 2 : i32
      %rem3A_34 = arith.remsi %scan3A_33, %rem3A : i32
      %ge3A = arith.constant 2 : i32
      %ge3A_35 = arith.cmpi sge, %scan3A_33, %ge3A : i32
      %convert_element_type3A = arith.extui %ge3A_35 : i1 to i32
      %cond3A = arith.constant 0 : i32
      %cond3A_36 = arith.cmpi ne, %convert_element_type3A, %cond3A : i32
      scf.if %cond3A_36 {
        %sub3A = arith.constant 2 : i32
        %sub3A_159 = arith.subi %scan3A_33, %sub3A : i32
        %mul3A_160 = arith.constant 640 : i32
        %mul3A_161 = arith.muli %rem3A_34, %mul3A_160 : i32
        %mul3A_162 = arith.constant 640 : i32
        %mul3A_163 = arith.muli %sub3A_159, %mul3A_162 : i32
        %add3A_164 = arith.addi %mul3A_4, %mul3A_163 : i32
        %dma_wait3A_165 = arith.constant 0 : i32
        %dma_wait3A_166 = tpu.memref_slice %arg6[%mul3A_161, %dma_wait3A_165] : memref<1280x64xf32, #tpu.memory_space<vmem>> -> memref<640x64xf32, #tpu.memory_space<vmem>>
        %dma_wait3A_167 = arith.constant 0 : i32
        %dma_wait3A_168 = tpu.memref_slice %arg4[%add3A_164, %dma_wait3A_167] : memref<204800x64xf32, #tpu.memory_space<hbm>> -> memref<640x64xf32, #tpu.memory_space<hbm>>
        %dma_wait3A_169 = arith.constant 0 : i32
        %dma_wait3A_170 = tpu.memref_slice %arg4[%add3A_164, %dma_wait3A_169] : memref<204800x64xf32, #tpu.memory_space<hbm>> -> memref<640x64xf32, #tpu.memory_space<hbm>>
        %dma_wait3A_171 = arith.constant 0 : i32
        %dma_wait3A_172 = tpu.memref_slice %arg6[%mul3A_161, %dma_wait3A_171] : memref<1280x64xf32, #tpu.memory_space<vmem>> -> memref<640x64xf32, #tpu.memory_space<vmem>>
        tpu.wait_dma2 semaphore(%arg8 : memref<!tpu.dma_semaphore, #tpu.memory_space<semaphore_mem>>) src(%dma_wait3A_172 : memref<640x64xf32, #tpu.memory_space<vmem>>) dst(%dma_wait3A_170 : memref<640x64xf32, #tpu.memory_space<hbm>>)
      } else {
      }
      %mul3A_37 = arith.constant 5 : i32
      %mul3A_38 = arith.muli %scan3A_33, %mul3A_37 : i32
      %add3A_39 = arith.constant 0 : i32
      %add3A_40 = arith.addi %mul3A_38, %add3A_39 : i32
      %mul3A_41 = arith.constant 128 : i32
      %mul3A_42 = arith.muli %add3A_40, %mul3A_41 : i32
      %mul3A_43 = arith.constant 640 : i32
      %mul3A_44 = arith.muli %rem3A_34, %mul3A_43 : i32
      %add3A_45 = arith.constant 0 : i32
      %add3A_46 = arith.addi %mul3A_44, %add3A_45 : i32
      %dma_start3A = arith.constant 0 : i32
      %dma_start3A_47 = tpu.memref_slice %arg6[%add3A_46, %dma_start3A] : memref<1280x64xf32, #tpu.memory_space<vmem>> -> memref<128x64xf32, #tpu.memory_space<vmem>>
      %dma_start3A_48 = tpu.memref_slice %arg5[%mul3A_42] : memref<6400xi32, #tpu.memory_space<vmem>> -> memref<128xi32, #tpu.memory_space<vmem>>
      %dma_start3A_49 = arith.constant 0 : i32
      %dma_start3A_50 = arith.constant 0 : i32
      %dma_start3A_51 = tpu.memref_slice %arg3[%dma_start3A_49, %dma_start3A_50] : memref<100000x64xf32, #tpu.memory_space<hbm>> -> memref<100000x64xf32, #tpu.memory_space<hbm>>
      tpu.enqueue_indirect_dma source(%dma_start3A_51 : memref<100000x64xf32, #tpu.memory_space<hbm>>) target(%dma_start3A_47 : memref<128x64xf32, #tpu.memory_space<vmem>>) offsets(%dma_start3A_48 : memref<128xi32, #tpu.memory_space<vmem>>) semaphore(%arg7 : memref<!tpu.dma_semaphore, #tpu.memory_space<semaphore_mem>>)
      %mul3A_52 = arith.constant 5 : i32
      %mul3A_53 = arith.muli %scan3A_33, %mul3A_52 : i32
      %add3A_54 = arith.constant 1 : i32
      %add3A_55 = arith.addi %mul3A_53, %add3A_54 : i32
      %mul3A_56 = arith.constant 128 : i32
      %mul3A_57 = arith.muli %add3A_55, %mul3A_56 : i32
      %mul3A_58 = arith.constant 640 : i32
      %mul3A_59 = arith.muli %rem3A_34, %mul3A_58 : i32
      %add3A_60 = arith.constant 128 : i32
      %add3A_61 = arith.addi %mul3A_59, %add3A_60 : i32
      %dma_start3A_62 = arith.constant 0 : i32
      %dma_start3A_63 = tpu.memref_slice %arg6[%add3A_61, %dma_start3A_62] : memref<1280x64xf32, #tpu.memory_space<vmem>> -> memref<128x64xf32, #tpu.memory_space<vmem>>
      %dma_start3A_64 = tpu.memref_slice %arg5[%mul3A_57] : memref<6400xi32, #tpu.memory_space<vmem>> -> memref<128xi32, #tpu.memory_space<vmem>>
      %dma_start3A_65 = arith.constant 0 : i32
      %dma_start3A_66 = arith.constant 0 : i32
      %dma_start3A_67 = tpu.memref_slice %arg3[%dma_start3A_65, %dma_start3A_66] : memref<100000x64xf32, #tpu.memory_space<hbm>> -> memref<100000x64xf32, #tpu.memory_space<hbm>>
      tpu.enqueue_indirect_dma source(%dma_start3A_67 : memref<100000x64xf32, #tpu.memory_space<hbm>>) target(%dma_start3A_63 : memref<128x64xf32, #tpu.memory_space<vmem>>) offsets(%dma_start3A_64 : memref<128xi32, #tpu.memory_space<vmem>>) semaphore(%arg7 : memref<!tpu.dma_semaphore, #tpu.memory_space<semaphore_mem>>)
      %mul3A_68 = arith.constant 5 : i32
      %mul3A_69 = arith.muli %scan3A_33, %mul3A_68 : i32
      %add3A_70 = arith.constant 2 : i32
      %add3A_71 = arith.addi %mul3A_69, %add3A_70 : i32
      %mul3A_72 = arith.constant 128 : i32
      %mul3A_73 = arith.muli %add3A_71, %mul3A_72 : i32
      %mul3A_74 = arith.constant 640 : i32
      %mul3A_75 = arith.muli %rem3A_34, %mul3A_74 : i32
      %add3A_76 = arith.constant 256 : i32
      %add3A_77 = arith.addi %mul3A_75, %add3A_76 : i32
      %dma_start3A_78 = arith.constant 0 : i32
      %dma_start3A_79 = tpu.memref_slice %arg6[%add3A_77, %dma_start3A_78] : memref<1280x64xf32, #tpu.memory_space<vmem>> -> memref<128x64xf32, #tpu.memory_space<vmem>>
      %dma_start3A_80 = tpu.memref_slice %arg5[%mul3A_73] : memref<6400xi32, #tpu.memory_space<vmem>> -> memref<128xi32, #tpu.memory_space<vmem>>
      %dma_start3A_81 = arith.constant 0 : i32
      %dma_start3A_82 = arith.constant 0 : i32
      %dma_start3A_83 = tpu.memref_slice %arg3[%dma_start3A_81, %dma_start3A_82] : memref<100000x64xf32, #tpu.memory_space<hbm>> -> memref<100000x64xf32, #tpu.memory_space<hbm>>
      tpu.enqueue_indirect_dma source(%dma_start3A_83 : memref<100000x64xf32, #tpu.memory_space<hbm>>) target(%dma_start3A_79 : memref<128x64xf32, #tpu.memory_space<vmem>>) offsets(%dma_start3A_80 : memref<128xi32, #tpu.memory_space<vmem>>) semaphore(%arg7 : memref<!tpu.dma_semaphore, #tpu.memory_space<semaphore_mem>>)
      %mul3A_84 = arith.constant 5 : i32
      %mul3A_85 = arith.muli %scan3A_33, %mul3A_84 : i32
      %add3A_86 = arith.constant 3 : i32
      %add3A_87 = arith.addi %mul3A_85, %add3A_86 : i32
      %mul3A_88 = arith.constant 128 : i32
      %mul3A_89 = arith.muli %add3A_87, %mul3A_88 : i32
      %mul3A_90 = arith.constant 640 : i32
      %mul3A_91 = arith.muli %rem3A_34, %mul3A_90 : i32
      %add3A_92 = arith.constant 384 : i32
      %add3A_93 = arith.addi %mul3A_91, %add3A_92 : i32
      %dma_start3A_94 = arith.constant 0 : i32
      %dma_start3A_95 = tpu.memref_slice %arg6[%add3A_93, %dma_start3A_94] : memref<1280x64xf32, #tpu.memory_space<vmem>> -> memref<128x64xf32, #tpu.memory_space<vmem>>
      %dma_start3A_96 = tpu.memref_slice %arg5[%mul3A_89] : memref<6400xi32, #tpu.memory_space<vmem>> -> memref<128xi32, #tpu.memory_space<vmem>>
      %dma_start3A_97 = arith.constant 0 : i32
      %dma_start3A_98 = arith.constant 0 : i32
      %dma_start3A_99 = tpu.memref_slice %arg3[%dma_start3A_97, %dma_start3A_98] : memref<100000x64xf32, #tpu.memory_space<hbm>> -> memref<100000x64xf32, #tpu.memory_space<hbm>>
      tpu.enqueue_indirect_dma source(%dma_start3A_99 : memref<100000x64xf32, #tpu.memory_space<hbm>>) target(%dma_start3A_95 : memref<128x64xf32, #tpu.memory_space<vmem>>) offsets(%dma_start3A_96 : memref<128xi32, #tpu.memory_space<vmem>>) semaphore(%arg7 : memref<!tpu.dma_semaphore, #tpu.memory_space<semaphore_mem>>)
      %mul3A_100 = arith.constant 5 : i32
      %mul3A_101 = arith.muli %scan3A_33, %mul3A_100 : i32
      %add3A_102 = arith.constant 4 : i32
      %add3A_103 = arith.addi %mul3A_101, %add3A_102 : i32
      %mul3A_104 = arith.constant 128 : i32
      %mul3A_105 = arith.muli %add3A_103, %mul3A_104 : i32
      %mul3A_106 = arith.constant 640 : i32
      %mul3A_107 = arith.muli %rem3A_34, %mul3A_106 : i32
      %add3A_108 = arith.constant 512 : i32
      %add3A_109 = arith.addi %mul3A_107, %add3A_108 : i32
      %dma_start3A_110 = arith.constant 0 : i32
      %dma_start3A_111 = tpu.memref_slice %arg6[%add3A_109, %dma_start3A_110] : memref<1280x64xf32, #tpu.memory_space<vmem>> -> memref<128x64xf32, #tpu.memory_space<vmem>>
      %dma_start3A_112 = tpu.memref_slice %arg5[%mul3A_105] : memref<6400xi32, #tpu.memory_space<vmem>> -> memref<128xi32, #tpu.memory_space<vmem>>
      %dma_start3A_113 = arith.constant 0 : i32
      %dma_start3A_114 = arith.constant 0 : i32
      %dma_start3A_115 = tpu.memref_slice %arg3[%dma_start3A_113, %dma_start3A_114] : memref<100000x64xf32, #tpu.memory_space<hbm>> -> memref<100000x64xf32, #tpu.memory_space<hbm>>
      tpu.enqueue_indirect_dma source(%dma_start3A_115 : memref<100000x64xf32, #tpu.memory_space<hbm>>) target(%dma_start3A_111 : memref<128x64xf32, #tpu.memory_space<vmem>>) offsets(%dma_start3A_112 : memref<128xi32, #tpu.memory_space<vmem>>) semaphore(%arg7 : memref<!tpu.dma_semaphore, #tpu.memory_space<semaphore_mem>>)
      %dma_wait3A_116 = arith.constant 0 : i32
      %dma_wait3A_117 = tpu.memref_slice %arg6[%add3A_46, %dma_wait3A_116] : memref<1280x64xf32, #tpu.memory_space<vmem>> -> memref<128x64xf32, #tpu.memory_space<vmem>>
      %dma_wait3A_118 = tpu.memref_slice %arg5[%mul3A_42] : memref<6400xi32, #tpu.memory_space<vmem>> -> memref<128xi32, #tpu.memory_space<vmem>>
      %dma_wait3A_119 = arith.constant 0 : i32
      %dma_wait3A_120 = arith.constant 0 : i32
      %dma_wait3A_121 = tpu.memref_slice %arg3[%dma_wait3A_119, %dma_wait3A_120] : memref<100000x64xf32, #tpu.memory_space<hbm>> -> memref<100000x64xf32, #tpu.memory_space<hbm>>
      tpu.wait_indirect_dma semaphore(%arg7 : memref<!tpu.dma_semaphore, #tpu.memory_space<semaphore_mem>>) src(%dma_wait3A_121 : memref<100000x64xf32, #tpu.memory_space<hbm>>) dst(%dma_wait3A_117 : memref<128x64xf32, #tpu.memory_space<vmem>>)
      %dma_wait3A_122 = arith.constant 0 : i32
      %dma_wait3A_123 = tpu.memref_slice %arg6[%add3A_61, %dma_wait3A_122] : memref<1280x64xf32, #tpu.memory_space<vmem>> -> memref<128x64xf32, #tpu.memory_space<vmem>>
      %dma_wait3A_124 = tpu.memref_slice %arg5[%mul3A_57] : memref<6400xi32, #tpu.memory_space<vmem>> -> memref<128xi32, #tpu.memory_space<vmem>>
      %dma_wait3A_125 = arith.constant 0 : i32
      %dma_wait3A_126 = arith.constant 0 : i32
      %dma_wait3A_127 = tpu.memref_slice %arg3[%dma_wait3A_125, %dma_wait3A_126] : memref<100000x64xf32, #tpu.memory_space<hbm>> -> memref<100000x64xf32, #tpu.memory_space<hbm>>
      tpu.wait_indirect_dma semaphore(%arg7 : memref<!tpu.dma_semaphore, #tpu.memory_space<semaphore_mem>>) src(%dma_wait3A_127 : memref<100000x64xf32, #tpu.memory_space<hbm>>) dst(%dma_wait3A_123 : memref<128x64xf32, #tpu.memory_space<vmem>>)
      %dma_wait3A_128 = arith.constant 0 : i32
      %dma_wait3A_129 = tpu.memref_slice %arg6[%add3A_77, %dma_wait3A_128] : memref<1280x64xf32, #tpu.memory_space<vmem>> -> memref<128x64xf32, #tpu.memory_space<vmem>>
      %dma_wait3A_130 = tpu.memref_slice %arg5[%mul3A_73] : memref<6400xi32, #tpu.memory_space<vmem>> -> memref<128xi32, #tpu.memory_space<vmem>>
      %dma_wait3A_131 = arith.constant 0 : i32
      %dma_wait3A_132 = arith.constant 0 : i32
      %dma_wait3A_133 = tpu.memref_slice %arg3[%dma_wait3A_131, %dma_wait3A_132] : memref<100000x64xf32, #tpu.memory_space<hbm>> -> memref<100000x64xf32, #tpu.memory_space<hbm>>
      tpu.wait_indirect_dma semaphore(%arg7 : memref<!tpu.dma_semaphore, #tpu.memory_space<semaphore_mem>>) src(%dma_wait3A_133 : memref<100000x64xf32, #tpu.memory_space<hbm>>) dst(%dma_wait3A_129 : memref<128x64xf32, #tpu.memory_space<vmem>>)
      %dma_wait3A_134 = arith.constant 0 : i32
      %dma_wait3A_135 = tpu.memref_slice %arg6[%add3A_93, %dma_wait3A_134] : memref<1280x64xf32, #tpu.memory_space<vmem>> -> memref<128x64xf32, #tpu.memory_space<vmem>>
      %dma_wait3A_136 = tpu.memref_slice %arg5[%mul3A_89] : memref<6400xi32, #tpu.memory_space<vmem>> -> memref<128xi32, #tpu.memory_space<vmem>>
      %dma_wait3A_137 = arith.constant 0 : i32
      %dma_wait3A_138 = arith.constant 0 : i32
      %dma_wait3A_139 = tpu.memref_slice %arg3[%dma_wait3A_137, %dma_wait3A_138] : memref<100000x64xf32, #tpu.memory_space<hbm>> -> memref<100000x64xf32, #tpu.memory_space<hbm>>
      tpu.wait_indirect_dma semaphore(%arg7 : memref<!tpu.dma_semaphore, #tpu.memory_space<semaphore_mem>>) src(%dma_wait3A_139 : memref<100000x64xf32, #tpu.memory_space<hbm>>) dst(%dma_wait3A_135 : memref<128x64xf32, #tpu.memory_space<vmem>>)
      %dma_wait3A_140 = arith.constant 0 : i32
      %dma_wait3A_141 = tpu.memref_slice %arg6[%add3A_109, %dma_wait3A_140] : memref<1280x64xf32, #tpu.memory_space<vmem>> -> memref<128x64xf32, #tpu.memory_space<vmem>>
      %dma_wait3A_142 = tpu.memref_slice %arg5[%mul3A_105] : memref<6400xi32, #tpu.memory_space<vmem>> -> memref<128xi32, #tpu.memory_space<vmem>>
      %dma_wait3A_143 = arith.constant 0 : i32
      %dma_wait3A_144 = arith.constant 0 : i32
      %dma_wait3A_145 = tpu.memref_slice %arg3[%dma_wait3A_143, %dma_wait3A_144] : memref<100000x64xf32, #tpu.memory_space<hbm>> -> memref<100000x64xf32, #tpu.memory_space<hbm>>
      tpu.wait_indirect_dma semaphore(%arg7 : memref<!tpu.dma_semaphore, #tpu.memory_space<semaphore_mem>>) src(%dma_wait3A_145 : memref<100000x64xf32, #tpu.memory_space<hbm>>) dst(%dma_wait3A_141 : memref<128x64xf32, #tpu.memory_space<vmem>>)
      %mul3A_146 = arith.constant 640 : i32
      %mul3A_147 = arith.muli %rem3A_34, %mul3A_146 : i32
      %mul3A_148 = arith.constant 640 : i32
      %mul3A_149 = arith.muli %scan3A_33, %mul3A_148 : i32
      %add3A_150 = arith.addi %mul3A_4, %mul3A_149 : i32
      %dma_start3A_151 = arith.constant 0 : i32
      %dma_start3A_152 = tpu.memref_slice %arg6[%mul3A_147, %dma_start3A_151] : memref<1280x64xf32, #tpu.memory_space<vmem>> -> memref<640x64xf32, #tpu.memory_space<vmem>>
      %dma_start3A_153 = arith.constant 0 : i32
      %dma_start3A_154 = tpu.memref_slice %arg4[%add3A_150, %dma_start3A_153] : memref<204800x64xf32, #tpu.memory_space<hbm>> -> memref<640x64xf32, #tpu.memory_space<hbm>>
      %dma_start3A_155 = arith.constant 0 : i32
      %dma_start3A_156 = tpu.memref_slice %arg4[%add3A_150, %dma_start3A_155] : memref<204800x64xf32, #tpu.memory_space<hbm>> -> memref<640x64xf32, #tpu.memory_space<hbm>>
      %dma_start3A_157 = arith.constant 0 : i32
      %dma_start3A_158 = tpu.memref_slice %arg6[%mul3A_147, %dma_start3A_157] : memref<1280x64xf32, #tpu.memory_space<vmem>> -> memref<640x64xf32, #tpu.memory_space<vmem>>
      tpu.enqueue_dma source(%dma_start3A_158 : memref<640x64xf32, #tpu.memory_space<vmem>>) target(%dma_start3A_156 : memref<640x64xf32, #tpu.memory_space<hbm>>) target_semaphore(%arg8 : memref<!tpu.dma_semaphore, #tpu.memory_space<semaphore_mem>>)
    }
    %scan3A_9 = arith.constant 10 : i32
    %add3A_10 = arith.constant 5120 : i32
    %add3A_11 = arith.addi %mul3A_4, %add3A_10 : i32
    %dma_wait3A = arith.constant 0 : i32
    %dma_wait3A_12 = arith.constant 0 : i32
    %dma_wait3A_13 = tpu.memref_slice %arg6[%dma_wait3A, %dma_wait3A_12] : memref<1280x64xf32, #tpu.memory_space<vmem>> -> memref<640x64xf32, #tpu.memory_space<vmem>>
    %dma_wait3A_14 = arith.constant 0 : i32
    %dma_wait3A_15 = tpu.memref_slice %arg4[%add3A_11, %dma_wait3A_14] : memref<204800x64xf32, #tpu.memory_space<hbm>> -> memref<640x64xf32, #tpu.memory_space<hbm>>
    %dma_wait3A_16 = arith.constant 0 : i32
    %dma_wait3A_17 = tpu.memref_slice %arg4[%add3A_11, %dma_wait3A_16] : memref<204800x64xf32, #tpu.memory_space<hbm>> -> memref<640x64xf32, #tpu.memory_space<hbm>>
    %dma_wait3A_18 = arith.constant 0 : i32
    %dma_wait3A_19 = arith.constant 0 : i32
    %dma_wait3A_20 = tpu.memref_slice %arg6[%dma_wait3A_18, %dma_wait3A_19] : memref<1280x64xf32, #tpu.memory_space<vmem>> -> memref<640x64xf32, #tpu.memory_space<vmem>>
    tpu.wait_dma2 semaphore(%arg8 : memref<!tpu.dma_semaphore, #tpu.memory_space<semaphore_mem>>) src(%dma_wait3A_20 : memref<640x64xf32, #tpu.memory_space<vmem>>) dst(%dma_wait3A_17 : memref<640x64xf32, #tpu.memory_space<hbm>>)
    %add3A_21 = arith.constant 5760 : i32
    %add3A_22 = arith.addi %mul3A_4, %add3A_21 : i32
    %dma_wait3A_23 = arith.constant 640 : i32
    %dma_wait3A_24 = arith.constant 0 : i32
    %dma_wait3A_25 = tpu.memref_slice %arg6[%dma_wait3A_23, %dma_wait3A_24] : memref<1280x64xf32, #tpu.memory_space<vmem>> -> memref<640x64xf32, #tpu.memory_space<vmem>>
    %dma_wait3A_26 = arith.constant 0 : i32
    %dma_wait3A_27 = tpu.memref_slice %arg4[%add3A_22, %dma_wait3A_26] : memref<204800x64xf32, #tpu.memory_space<hbm>> -> memref<640x64xf32, #tpu.memory_space<hbm>>
    %dma_wait3A_28 = arith.constant 0 : i32
    %dma_wait3A_29 = tpu.memref_slice %arg4[%add3A_22, %dma_wait3A_28] : memref<204800x64xf32, #tpu.memory_space<hbm>> -> memref<640x64xf32, #tpu.memory_space<hbm>>
    %dma_wait3A_30 = arith.constant 640 : i32
    %dma_wait3A_31 = arith.constant 0 : i32
    %dma_wait3A_32 = tpu.memref_slice %arg6[%dma_wait3A_30, %dma_wait3A_31] : memref<1280x64xf32, #tpu.memory_space<vmem>> -> memref<640x64xf32, #tpu.memory_space<vmem>>
    tpu.wait_dma2 semaphore(%arg8 : memref<!tpu.dma_semaphore, #tpu.memory_space<semaphore_mem>>) src(%dma_wait3A_32 : memref<640x64xf32, #tpu.memory_space<vmem>>) dst(%dma_wait3A_29 : memref<640x64xf32, #tpu.memory_space<hbm>>)
    return
  }
}

module attributes {stable_mosaic.version = 14 : i64} {
  func.func @_bilstm_body(%arg0: i32, %arg1: memref<8x1024x64xf32, #tpu.memory_space<vmem>>, %arg2: memref<8x1024x64xf32, #tpu.memory_space<vmem>>, %arg3: memref<256x512xbf16, #tpu.memory_space<vmem>>, %arg4: memref<256x512xbf16, #tpu.memory_space<vmem>>, %arg5: memref<128x64xbf16, #tpu.memory_space<vmem>>, %arg6: memref<128x64xbf16, #tpu.memory_space<vmem>>, %arg7: memref<1x64xf32, #tpu.memory_space<vmem>>, %arg8: memref<8x1024x64xbf16, #tpu.memory_space<vmem>>, %arg9: memref<8x1024x64xbf16, #tpu.memory_space<vmem>>, %arg10: memref<1024x256xbf16, #tpu.memory_space<vmem>>, %arg11: memref<1024x256xbf16, #tpu.memory_space<vmem>>, %arg12: memref<1024x128xf32, #tpu.memory_space<vmem>>, %arg13: memref<1024x128xf32, #tpu.memory_space<vmem>>) attributes {dimension_semantics = [#tpu.dimension_semantics<arbitrary>], iteration_bounds = array<i64: 25>, scalar_prefetch = 0 : i64, scratch_operands = 4 : i64, tpu.core_type = #tpu.core_type<tc>, window_params = [{transform_indices = @transform_0, window_bounds = array<i64: 8, 1024, 64>}, {transform_indices = @transform_1, window_bounds = array<i64: 8, 1024, 64>}, {pipeline_mode = #tpu.pipeline_mode<synchronous>, transform_indices = @transform_2, window_bounds = array<i64: 256, 512>}, {pipeline_mode = #tpu.pipeline_mode<synchronous>, transform_indices = @transform_3, window_bounds = array<i64: 256, 512>}, {pipeline_mode = #tpu.pipeline_mode<synchronous>, transform_indices = @transform_4, window_bounds = array<i64: 128, 64>}, {pipeline_mode = #tpu.pipeline_mode<synchronous>, transform_indices = @transform_5, window_bounds = array<i64: 128, 64>}, {pipeline_mode = #tpu.pipeline_mode<synchronous>, transform_indices = @transform_6, window_bounds = array<i64: 1, 64>}, {transform_indices = @transform_7, window_bounds = array<i64: 8, 1024, 64>}, {transform_indices = @transform_8, window_bounds = array<i64: 8, 1024, 64>}]} {
    %eq3A = arith.constant 0 : i32
    %eq3A_0 = arith.cmpi eq, %arg0, %eq3A : i32
    %convert_element_type3A = arith.extui %eq3A_0 : i1 to i32
    %cond3A = arith.constant 0 : i32
    %cond3A_1 = arith.cmpi ne, %convert_element_type3A, %cond3A : i32
    scf.if %cond3A_1 {
      %iota3A = tpu.iota {dimensions = array<i32: 1>} : vector<1024x256xi32>
      %eq3A_1155 = arith.constant 192 : i32
      %eq3A_1156 = vector.broadcast %eq3A_1155 : i32 to vector<1024x256xi32>
      %eq3A_1157 = arith.cmpi eq, %iota3A, %eq3A_1156 : vector<1024x256xi32>
      %jit3A = arith.constant 1.000000e+00 : f32
      %jit3A_1158 = arith.constant 0.000000e+00 : f32
      %broadcast_in_dim3A = vector.broadcast %jit3A : f32 to vector<1024x256xf32>
      %broadcast_in_dim3A_1159 = vector.broadcast %jit3A_1158 : f32 to vector<1024x256xf32>
      %select_n3A = arith.select %eq3A_1157, %broadcast_in_dim3A, %broadcast_in_dim3A_1159 : vector<1024x256xi1>, vector<1024x256xf32>
      %convert_element_type3A_1160 = arith.truncf %select_n3A : vector<1024x256xf32> to vector<1024x256xbf16>
      %swap3A_1161 = arith.constant 0 : index
      %swap3A_1162 = arith.constant 0 : index
      %swap3A_1163 = vector.load %arg10[%swap3A_1161, %swap3A_1162] : memref<1024x256xbf16, #tpu.memory_space<vmem>>, vector<1024x256xbf16>
      tpu.vector_store %arg10[%swap3A_1161, %swap3A_1162], %convert_element_type3A_1160 {strides = array<i32>} : memref<1024x256xbf16, #tpu.memory_space<vmem>>, vector<1024x256xbf16>,
      %swap3A_1164 = arith.constant 0 : index
      %swap3A_1165 = arith.constant 0 : index
      %swap3A_1166 = vector.load %arg11[%swap3A_1164, %swap3A_1165] : memref<1024x256xbf16, #tpu.memory_space<vmem>>, vector<1024x256xbf16>
      tpu.vector_store %arg11[%swap3A_1164, %swap3A_1165], %convert_element_type3A_1160 {strides = array<i32>} : memref<1024x256xbf16, #tpu.memory_space<vmem>>, vector<1024x256xbf16>,
      %broadcast_in_dim3A_1167 = arith.constant 0.000000e+00 : f32
      %broadcast_in_dim3A_1168 = vector.broadcast %broadcast_in_dim3A_1167 : f32 to vector<1024x128xf32>
      %swap3A_1169 = arith.constant 0 : index
      %swap3A_1170 = arith.constant 0 : index
      %swap3A_1171 = vector.load %arg12[%swap3A_1169, %swap3A_1170] : memref<1024x128xf32, #tpu.memory_space<vmem>>, vector<1024x128xf32>
      tpu.vector_store %arg12[%swap3A_1169, %swap3A_1170], %broadcast_in_dim3A_1168 {strides = array<i32>} : memref<1024x128xf32, #tpu.memory_space<vmem>>, vector<1024x128xf32>,
      %broadcast_in_dim3A_1172 = arith.constant 0.000000e+00 : f32
      %broadcast_in_dim3A_1173 = vector.broadcast %broadcast_in_dim3A_1172 : f32 to vector<1024x128xf32>
      %swap3A_1174 = arith.constant 0 : index
      %swap3A_1175 = arith.constant 0 : index
      %swap3A_1176 = vector.load %arg13[%swap3A_1174, %swap3A_1175] : memref<1024x128xf32, #tpu.memory_space<vmem>>, vector<1024x128xf32>
      tpu.vector_store %arg13[%swap3A_1174, %swap3A_1175], %broadcast_in_dim3A_1173 {strides = array<i32>} : memref<1024x128xf32, #tpu.memory_space<vmem>>, vector<1024x128xf32>,
    } else {
    }
    %get3A = arith.constant 0 : index
    %get3A_2 = arith.constant 0 : index
    %get3A_3 = arith.constant 0 : index
    %get3A_4 = vector.load %arg1[%get3A, %get3A_2, %get3A_3] : memref<8x1024x64xf32, #tpu.memory_space<vmem>>, vector<1x1024x64xf32>
    %get3A_5 = vector.shape_cast %get3A_4 : vector<1x1024x64xf32> to vector<1024x64xf32>
    %convert_element_type3A_6 = arith.truncf %get3A_5 : vector<1024x64xf32> to vector<1024x64xbf16>
    %swap3A = arith.constant 0 : index
    %swap3A_7 = arith.constant 128 : index
    %swap3A_8 = vector.load %arg10[%swap3A, %swap3A_7] : memref<1024x256xbf16, #tpu.memory_space<vmem>>, vector<1024x64xbf16>
    tpu.vector_store %arg10[%swap3A, %swap3A_7], %convert_element_type3A_6 {strides = array<i32>} : memref<1024x256xbf16, #tpu.memory_space<vmem>>, vector<1024x64xbf16>,
    %get3A_9 = arith.constant 0 : index
    %get3A_10 = arith.constant 0 : index
    %get3A_11 = vector.load %arg10[%get3A_9, %get3A_10] : memref<1024x256xbf16, #tpu.memory_space<vmem>>, vector<1024x256xbf16>
    %get3A_12 = arith.constant 0 : index
    %get3A_13 = arith.constant 0 : index
    %get3A_14 = vector.load %arg3[%get3A_12, %get3A_13] : memref<256x512xbf16, #tpu.memory_space<vmem>>, vector<256x512xbf16>
    %dot_general3A = arith.constant dense<0.000000e+00> : vector<1024x512xf32>
    %dot_general3A_15 = tpu.matmul %get3A_11, %get3A_14, %dot_general3A {dimension_numbers = #tpu.dot_dimension_numbers<[1], [0], [0], [1], [0, 0, 1, 1], [], []>, transpose_lhs_hint = false} : vector<1024x256xbf16>, vector<256x512xbf16>, vector<1024x512xf32> -> vector<1024x512xf32>
    %slice3A = vector.extract_strided_slice %dot_general3A_15 {offsets = [0, 0], sizes = [1024, 128], strides = [1, 1]} : vector<1024x512xf32> to vector<1024x128xf32>
    %tanh3A = math.tanh %slice3A : vector<1024x128xf32>
    %slice3A_16 = vector.extract_strided_slice %dot_general3A_15 {offsets = [0, 128], sizes = [1024, 128], strides = [1, 1]} : vector<1024x512xf32> to vector<1024x128xf32>
    %tanh3A_17 = math.tanh %slice3A_16 : vector<1024x128xf32>
    %slice3A_18 = vector.extract_strided_slice %dot_general3A_15 {offsets = [0, 256], sizes = [1024, 128], strides = [1, 1]} : vector<1024x512xf32> to vector<1024x128xf32>
    %tanh3A_19 = math.tanh %slice3A_18 : vector<1024x128xf32>
    %slice3A_20 = vector.extract_strided_slice %dot_general3A_15 {offsets = [0, 384], sizes = [1024, 128], strides = [1, 1]} : vector<1024x512xf32> to vector<1024x128xf32>
    %tanh3A_21 = math.tanh %slice3A_20 : vector<1024x128xf32>
    %mul3A = arith.constant 5.000000e-01 : f32
    %mul3A_22 = vector.broadcast %mul3A : f32 to vector<1024x128xf32>
    %mul3A_23 = arith.mulf %mul3A_22, %tanh3A_17 : vector<1024x128xf32>
    %add3A = arith.constant 5.000000e-01 : f32
    %add3A_24 = vector.broadcast %add3A : f32 to vector<1024x128xf32>
    %add3A_25 = arith.addf %mul3A_23, %add3A_24 : vector<1024x128xf32>
    %get3A_26 = arith.constant 0 : index
    %get3A_27 = arith.constant 0 : index
    %get3A_28 = vector.load %arg12[%get3A_26, %get3A_27] : memref<1024x128xf32, #tpu.memory_space<vmem>>, vector<1024x128xf32>
    %mul3A_29 = arith.mulf %add3A_25, %get3A_28 : vector<1024x128xf32>
    %mul3A_30 = arith.constant 5.000000e-01 : f32
    %mul3A_31 = vector.broadcast %mul3A_30 : f32 to vector<1024x128xf32>
    %mul3A_32 = arith.mulf %mul3A_31, %tanh3A : vector<1024x128xf32>
    %add3A_33 = arith.constant 5.000000e-01 : f32
    %add3A_34 = vector.broadcast %add3A_33 : f32 to vector<1024x128xf32>
    %add3A_35 = arith.addf %mul3A_32, %add3A_34 : vector<1024x128xf32>
    %mul3A_36 = arith.mulf %add3A_35, %tanh3A_19 : vector<1024x128xf32>
    %add3A_37 = arith.addf %mul3A_29, %mul3A_36 : vector<1024x128xf32>
    %mul3A_38 = arith.constant 5.000000e-01 : f32
    %mul3A_39 = vector.broadcast %mul3A_38 : f32 to vector<1024x128xf32>
    %mul3A_40 = arith.mulf %mul3A_39, %tanh3A_21 : vector<1024x128xf32>
    %add3A_41 = arith.constant 5.000000e-01 : f32
    %add3A_42 = vector.broadcast %add3A_41 : f32 to vector<1024x128xf32>
    %add3A_43 = arith.addf %mul3A_40, %add3A_42 : vector<1024x128xf32>
    %tanh3A_44 = math.tanh %add3A_37 : vector<1024x128xf32>
    %mul3A_45 = arith.mulf %add3A_43, %tanh3A_44 : vector<1024x128xf32>
    %swap3A_46 = arith.constant 0 : index
    %swap3A_47 = arith.constant 0 : index
    %swap3A_48 = vector.load %arg12[%swap3A_46, %swap3A_47] : memref<1024x128xf32, #tpu.memory_space<vmem>>, vector<1024x128xf32>
    tpu.vector_store %arg12[%swap3A_46, %swap3A_47], %add3A_37 {strides = array<i32>} : memref<1024x128xf32, #tpu.memory_space<vmem>>, vector<1024x128xf32>,
    %convert_element_type3A_49 = arith.truncf %mul3A_45 : vector<1024x128xf32> to vector<1024x128xbf16>
    %swap3A_50 = arith.constant 0 : index
    %swap3A_51 = arith.constant 0 : index
    %swap3A_52 = vector.load %arg10[%swap3A_50, %swap3A_51] : memref<1024x256xbf16, #tpu.memory_space<vmem>>, vector<1024x128xbf16>
    tpu.vector_store %arg10[%swap3A_50, %swap3A_51], %convert_element_type3A_49 {strides = array<i32>} : memref<1024x256xbf16, #tpu.memory_space<vmem>>, vector<1024x128xbf16>,
    %get3A_53 = arith.constant 0 : index
    %get3A_54 = arith.constant 0 : index
    %get3A_55 = vector.load %arg5[%get3A_53, %get3A_54] : memref<128x64xbf16, #tpu.memory_space<vmem>>, vector<128x64xbf16>
    %dot_general3A_56 = arith.constant dense<0.000000e+00> : vector<1024x64xf32>
    %dot_general3A_57 = tpu.matmul %convert_element_type3A_49, %get3A_55, %dot_general3A_56 {dimension_numbers = #tpu.dot_dimension_numbers<[1], [0], [0], [1], [0, 0, 1, 1], [], []>, transpose_lhs_hint = false} : vector<1024x128xbf16>, vector<128x64xbf16>, vector<1024x64xf32> -> vector<1024x64xf32>
    %get3A_58 = arith.constant 0 : index
    %get3A_59 = arith.constant 0 : index
    %get3A_60 = vector.load %arg7[%get3A_58, %get3A_59] : memref<1x64xf32, #tpu.memory_space<vmem>>, vector<1x64xf32>
    %add3A_61 = vector.broadcast %get3A_60 : vector<1x64xf32> to vector<1024x64xf32>
    %add3A_62 = arith.addf %dot_general3A_57, %add3A_61 : vector<1024x64xf32>
    %convert_element_type3A_63 = arith.truncf %add3A_62 : vector<1024x64xf32> to vector<1024x64xbf16>
    %swap3A_64 = arith.constant 0 : index
    %swap3A_65 = arith.constant 0 : index
    %swap3A_66 = arith.constant 0 : index
    %swap3A_67 = vector.load %arg8[%swap3A_64, %swap3A_65, %swap3A_66] : memref<8x1024x64xbf16, #tpu.memory_space<vmem>>, vector<1x1024x64xbf16>
    %swap3A_68 = vector.shape_cast %swap3A_67 : vector<1x1024x64xbf16> to vector<1024x64xbf16>
    %swap3A_69 = vector.shape_cast %convert_element_type3A_63 : vector<1024x64xbf16> to vector<1x1024x64xbf16>
    tpu.vector_store %arg8[%swap3A_64, %swap3A_65, %swap3A_66], %swap3A_69 {strides = array<i32>} : memref<8x1024x64xbf16, #tpu.memory_space<vmem>>, vector<1x1024x64xbf16>,
    %get3A_70 = arith.constant 7 : index
    %get3A_71 = arith.constant 0 : index
    %get3A_72 = arith.constant 0 : index
    %get3A_73 = vector.load %arg2[%get3A_70, %get3A_71, %get3A_72] : memref<8x1024x64xf32, #tpu.memory_space<vmem>>, vector<1x1024x64xf32>
    %get3A_74 = vector.shape_cast %get3A_73 : vector<1x1024x64xf32> to vector<1024x64xf32>
    %convert_element_type3A_75 = arith.truncf %get3A_74 : vector<1024x64xf32> to vector<1024x64xbf16>
    %swap3A_76 = arith.constant 0 : index
    %swap3A_77 = arith.constant 128 : index
    %swap3A_78 = vector.load %arg11[%swap3A_76, %swap3A_77] : memref<1024x256xbf16, #tpu.memory_space<vmem>>, vector<1024x64xbf16>
    tpu.vector_store %arg11[%swap3A_76, %swap3A_77], %convert_element_type3A_75 {strides = array<i32>} : memref<1024x256xbf16, #tpu.memory_space<vmem>>, vector<1024x64xbf16>,
    %get3A_79 = arith.constant 0 : index
    %get3A_80 = arith.constant 0 : index
    %get3A_81 = vector.load %arg11[%get3A_79, %get3A_80] : memref<1024x256xbf16, #tpu.memory_space<vmem>>, vector<1024x256xbf16>
    %get3A_82 = arith.constant 0 : index
    %get3A_83 = arith.constant 0 : index
    %get3A_84 = vector.load %arg4[%get3A_82, %get3A_83] : memref<256x512xbf16, #tpu.memory_space<vmem>>, vector<256x512xbf16>
    %dot_general3A_85 = arith.constant dense<0.000000e+00> : vector<1024x512xf32>
    %dot_general3A_86 = tpu.matmul %get3A_81, %get3A_84, %dot_general3A_85 {dimension_numbers = #tpu.dot_dimension_numbers<[1], [0], [0], [1], [0, 0, 1, 1], [], []>, transpose_lhs_hint = false} : vector<1024x256xbf16>, vector<256x512xbf16>, vector<1024x512xf32> -> vector<1024x512xf32>
    %slice3A_87 = vector.extract_strided_slice %dot_general3A_86 {offsets = [0, 0], sizes = [1024, 128], strides = [1, 1]} : vector<1024x512xf32> to vector<1024x128xf32>
    %tanh3A_88 = math.tanh %slice3A_87 : vector<1024x128xf32>
    %slice3A_89 = vector.extract_strided_slice %dot_general3A_86 {offsets = [0, 128], sizes = [1024, 128], strides = [1, 1]} : vector<1024x512xf32> to vector<1024x128xf32>
    %tanh3A_90 = math.tanh %slice3A_89 : vector<1024x128xf32>
    %slice3A_91 = vector.extract_strided_slice %dot_general3A_86 {offsets = [0, 256], sizes = [1024, 128], strides = [1, 1]} : vector<1024x512xf32> to vector<1024x128xf32>
    %tanh3A_92 = math.tanh %slice3A_91 : vector<1024x128xf32>
    %slice3A_93 = vector.extract_strided_slice %dot_general3A_86 {offsets = [0, 384], sizes = [1024, 128], strides = [1, 1]} : vector<1024x512xf32> to vector<1024x128xf32>
    %tanh3A_94 = math.tanh %slice3A_93 : vector<1024x128xf32>
    %mul3A_95 = arith.constant 5.000000e-01 : f32
    %mul3A_96 = vector.broadcast %mul3A_95 : f32 to vector<1024x128xf32>
    %mul3A_97 = arith.mulf %mul3A_96, %tanh3A_90 : vector<1024x128xf32>
    %add3A_98 = arith.constant 5.000000e-01 : f32
    %add3A_99 = vector.broadcast %add3A_98 : f32 to vector<1024x128xf32>
    %add3A_100 = arith.addf %mul3A_97, %add3A_99 : vector<1024x128xf32>
    %get3A_101 = arith.constant 0 : index
    %get3A_102 = arith.constant 0 : index
    %get3A_103 = vector.load %arg13[%get3A_101, %get3A_102] : memref<1024x128xf32, #tpu.memory_space<vmem>>, vector<1024x128xf32>
    %mul3A_104 = arith.mulf %add3A_100, %get3A_103 : vector<1024x128xf32>
    %mul3A_105 = arith.constant 5.000000e-01 : f32
    %mul3A_106 = vector.broadcast %mul3A_105 : f32 to vector<1024x128xf32>
    %mul3A_107 = arith.mulf %mul3A_106, %tanh3A_88 : vector<1024x128xf32>
    %add3A_108 = arith.constant 5.000000e-01 : f32
    %add3A_109 = vector.broadcast %add3A_108 : f32 to vector<1024x128xf32>
    %add3A_110 = arith.addf %mul3A_107, %add3A_109 : vector<1024x128xf32>
    %mul3A_111 = arith.mulf %add3A_110, %tanh3A_92 : vector<1024x128xf32>
    %add3A_112 = arith.addf %mul3A_104, %mul3A_111 : vector<1024x128xf32>
    %mul3A_113 = arith.constant 5.000000e-01 : f32
    %mul3A_114 = vector.broadcast %mul3A_113 : f32 to vector<1024x128xf32>
    %mul3A_115 = arith.mulf %mul3A_114, %tanh3A_94 : vector<1024x128xf32>
    %add3A_116 = arith.constant 5.000000e-01 : f32
    %add3A_117 = vector.broadcast %add3A_116 : f32 to vector<1024x128xf32>
    %add3A_118 = arith.addf %mul3A_115, %add3A_117 : vector<1024x128xf32>
    %tanh3A_119 = math.tanh %add3A_112 : vector<1024x128xf32>
    %mul3A_120 = arith.mulf %add3A_118, %tanh3A_119 : vector<1024x128xf32>
    %swap3A_121 = arith.constant 0 : index
    %swap3A_122 = arith.constant 0 : index
    %swap3A_123 = vector.load %arg13[%swap3A_121, %swap3A_122] : memref<1024x128xf32, #tpu.memory_space<vmem>>, vector<1024x128xf32>
    tpu.vector_store %arg13[%swap3A_121, %swap3A_122], %add3A_112 {strides = array<i32>} : memref<1024x128xf32, #tpu.memory_space<vmem>>, vector<1024x128xf32>,
    %convert_element_type3A_124 = arith.truncf %mul3A_120 : vector<1024x128xf32> to vector<1024x128xbf16>
    %swap3A_125 = arith.constant 0 : index
    %swap3A_126 = arith.constant 0 : index
    %swap3A_127 = vector.load %arg11[%swap3A_125, %swap3A_126] : memref<1024x256xbf16, #tpu.memory_space<vmem>>, vector<1024x128xbf16>
    tpu.vector_store %arg11[%swap3A_125, %swap3A_126], %convert_element_type3A_124 {strides = array<i32>} : memref<1024x256xbf16, #tpu.memory_space<vmem>>, vector<1024x128xbf16>,
    %get3A_128 = arith.constant 0 : index
    %get3A_129 = arith.constant 0 : index
    %get3A_130 = vector.load %arg6[%get3A_128, %get3A_129] : memref<128x64xbf16, #tpu.memory_space<vmem>>, vector<128x64xbf16>
    %dot_general3A_131 = arith.constant dense<0.000000e+00> : vector<1024x64xf32>
    %dot_general3A_132 = tpu.matmul %convert_element_type3A_124, %get3A_130, %dot_general3A_131 {dimension_numbers = #tpu.dot_dimension_numbers<[1], [0], [0], [1], [0, 0, 1, 1], [], []>, transpose_lhs_hint = false} : vector<1024x128xbf16>, vector<128x64xbf16>, vector<1024x64xf32> -> vector<1024x64xf32>
    %convert_element_type3A_133 = arith.truncf %dot_general3A_132 : vector<1024x64xf32> to vector<1024x64xbf16>
    %swap3A_134 = arith.constant 7 : index
    %swap3A_135 = arith.constant 0 : index
    %swap3A_136 = arith.constant 0 : index
    %swap3A_137 = vector.load %arg9[%swap3A_134, %swap3A_135, %swap3A_136] : memref<8x1024x64xbf16, #tpu.memory_space<vmem>>, vector<1x1024x64xbf16>
    %swap3A_138 = vector.shape_cast %swap3A_137 : vector<1x1024x64xbf16> to vector<1024x64xbf16>
    %swap3A_139 = vector.shape_cast %convert_element_type3A_133 : vector<1024x64xbf16> to vector<1x1024x64xbf16>
    tpu.vector_store %arg9[%swap3A_134, %swap3A_135, %swap3A_136], %swap3A_139 {strides = array<i32>} : memref<8x1024x64xbf16, #tpu.memory_space<vmem>>, vector<1x1024x64xbf16>,
    %get3A_140 = arith.constant 1 : index
    %get3A_141 = arith.constant 0 : index
    %get3A_142 = arith.constant 0 : index
    %get3A_143 = vector.load %arg1[%get3A_140, %get3A_141, %get3A_142] : memref<8x1024x64xf32, #tpu.memory_space<vmem>>, vector<1x1024x64xf32>
    %get3A_144 = vector.shape_cast %get3A_143 : vector<1x1024x64xf32> to vector<1024x64xf32>
    %convert_element_type3A_145 = arith.truncf %get3A_144 : vector<1024x64xf32> to vector<1024x64xbf16>
    %swap3A_146 = arith.constant 0 : index
    %swap3A_147 = arith.constant 128 : index
    %swap3A_148 = vector.load %arg10[%swap3A_146, %swap3A_147] : memref<1024x256xbf16, #tpu.memory_space<vmem>>, vector<1024x64xbf16>
    tpu.vector_store %arg10[%swap3A_146, %swap3A_147], %convert_element_type3A_145 {strides = array<i32>} : memref<1024x256xbf16, #tpu.memory_space<vmem>>, vector<1024x64xbf16>,
    %get3A_149 = arith.constant 0 : index
    %get3A_150 = arith.constant 0 : index
    %get3A_151 = vector.load %arg10[%get3A_149, %get3A_150] : memref<1024x256xbf16, #tpu.memory_space<vmem>>, vector<1024x256xbf16>
    %get3A_152 = arith.constant 0 : index
    %get3A_153 = arith.constant 0 : index
    %get3A_154 = vector.load %arg3[%get3A_152, %get3A_153] : memref<256x512xbf16, #tpu.memory_space<vmem>>, vector<256x512xbf16>
    %dot_general3A_155 = arith.constant dense<0.000000e+00> : vector<1024x512xf32>
    %dot_general3A_156 = tpu.matmul %get3A_151, %get3A_154, %dot_general3A_155 {dimension_numbers = #tpu.dot_dimension_numbers<[1], [0], [0], [1], [0, 0, 1, 1], [], []>, transpose_lhs_hint = false} : vector<1024x256xbf16>, vector<256x512xbf16>, vector<1024x512xf32> -> vector<1024x512xf32>
    %slice3A_157 = vector.extract_strided_slice %dot_general3A_156 {offsets = [0, 0], sizes = [1024, 128], strides = [1, 1]} : vector<1024x512xf32> to vector<1024x128xf32>
    %tanh3A_158 = math.tanh %slice3A_157 : vector<1024x128xf32>
    %slice3A_159 = vector.extract_strided_slice %dot_general3A_156 {offsets = [0, 128], sizes = [1024, 128], strides = [1, 1]} : vector<1024x512xf32> to vector<1024x128xf32>
    %tanh3A_160 = math.tanh %slice3A_159 : vector<1024x128xf32>
    %slice3A_161 = vector.extract_strided_slice %dot_general3A_156 {offsets = [0, 256], sizes = [1024, 128], strides = [1, 1]} : vector<1024x512xf32> to vector<1024x128xf32>
    %tanh3A_162 = math.tanh %slice3A_161 : vector<1024x128xf32>
    %slice3A_163 = vector.extract_strided_slice %dot_general3A_156 {offsets = [0, 384], sizes = [1024, 128], strides = [1, 1]} : vector<1024x512xf32> to vector<1024x128xf32>
    %tanh3A_164 = math.tanh %slice3A_163 : vector<1024x128xf32>
    %mul3A_165 = arith.constant 5.000000e-01 : f32
    %mul3A_166 = vector.broadcast %mul3A_165 : f32 to vector<1024x128xf32>
    %mul3A_167 = arith.mulf %mul3A_166, %tanh3A_160 : vector<1024x128xf32>
    %add3A_168 = arith.constant 5.000000e-01 : f32
    %add3A_169 = vector.broadcast %add3A_168 : f32 to vector<1024x128xf32>
    %add3A_170 = arith.addf %mul3A_167, %add3A_169 : vector<1024x128xf32>
    %get3A_171 = arith.constant 0 : index
    %get3A_172 = arith.constant 0 : index
    %get3A_173 = vector.load %arg12[%get3A_171, %get3A_172] : memref<1024x128xf32, #tpu.memory_space<vmem>>, vector<1024x128xf32>
    %mul3A_174 = arith.mulf %add3A_170, %get3A_173 : vector<1024x128xf32>
    %mul3A_175 = arith.constant 5.000000e-01 : f32
    %mul3A_176 = vector.broadcast %mul3A_175 : f32 to vector<1024x128xf32>
    %mul3A_177 = arith.mulf %mul3A_176, %tanh3A_158 : vector<1024x128xf32>
    %add3A_178 = arith.constant 5.000000e-01 : f32
    %add3A_179 = vector.broadcast %add3A_178 : f32 to vector<1024x128xf32>
    %add3A_180 = arith.addf %mul3A_177, %add3A_179 : vector<1024x128xf32>
    %mul3A_181 = arith.mulf %add3A_180, %tanh3A_162 : vector<1024x128xf32>
    %add3A_182 = arith.addf %mul3A_174, %mul3A_181 : vector<1024x128xf32>
    %mul3A_183 = arith.constant 5.000000e-01 : f32
    %mul3A_184 = vector.broadcast %mul3A_183 : f32 to vector<1024x128xf32>
    %mul3A_185 = arith.mulf %mul3A_184, %tanh3A_164 : vector<1024x128xf32>
    %add3A_186 = arith.constant 5.000000e-01 : f32
    %add3A_187 = vector.broadcast %add3A_186 : f32 to vector<1024x128xf32>
    %add3A_188 = arith.addf %mul3A_185, %add3A_187 : vector<1024x128xf32>
    %tanh3A_189 = math.tanh %add3A_182 : vector<1024x128xf32>
    %mul3A_190 = arith.mulf %add3A_188, %tanh3A_189 : vector<1024x128xf32>
    %swap3A_191 = arith.constant 0 : index
    %swap3A_192 = arith.constant 0 : index
    %swap3A_193 = vector.load %arg12[%swap3A_191, %swap3A_192] : memref<1024x128xf32, #tpu.memory_space<vmem>>, vector<1024x128xf32>
    tpu.vector_store %arg12[%swap3A_191, %swap3A_192], %add3A_182 {strides = array<i32>} : memref<1024x128xf32, #tpu.memory_space<vmem>>, vector<1024x128xf32>,
    %convert_element_type3A_194 = arith.truncf %mul3A_190 : vector<1024x128xf32> to vector<1024x128xbf16>
    %swap3A_195 = arith.constant 0 : index
    %swap3A_196 = arith.constant 0 : index
    %swap3A_197 = vector.load %arg10[%swap3A_195, %swap3A_196] : memref<1024x256xbf16, #tpu.memory_space<vmem>>, vector<1024x128xbf16>
    tpu.vector_store %arg10[%swap3A_195, %swap3A_196], %convert_element_type3A_194 {strides = array<i32>} : memref<1024x256xbf16, #tpu.memory_space<vmem>>, vector<1024x128xbf16>,
    %get3A_198 = arith.constant 0 : index
    %get3A_199 = arith.constant 0 : index
    %get3A_200 = vector.load %arg5[%get3A_198, %get3A_199] : memref<128x64xbf16, #tpu.memory_space<vmem>>, vector<128x64xbf16>
    %dot_general3A_201 = arith.constant dense<0.000000e+00> : vector<1024x64xf32>
    %dot_general3A_202 = tpu.matmul %convert_element_type3A_194, %get3A_200, %dot_general3A_201 {dimension_numbers = #tpu.dot_dimension_numbers<[1], [0], [0], [1], [0, 0, 1, 1], [], []>, transpose_lhs_hint = false} : vector<1024x128xbf16>, vector<128x64xbf16>, vector<1024x64xf32> -> vector<1024x64xf32>
    %get3A_203 = arith.constant 0 : index
    %get3A_204 = arith.constant 0 : index
    %get3A_205 = vector.load %arg7[%get3A_203, %get3A_204] : memref<1x64xf32, #tpu.memory_space<vmem>>, vector<1x64xf32>
    %add3A_206 = vector.broadcast %get3A_205 : vector<1x64xf32> to vector<1024x64xf32>
    %add3A_207 = arith.addf %dot_general3A_202, %add3A_206 : vector<1024x64xf32>
    %convert_element_type3A_208 = arith.truncf %add3A_207 : vector<1024x64xf32> to vector<1024x64xbf16>
    %swap3A_209 = arith.constant 1 : index
    %swap3A_210 = arith.constant 0 : index
    %swap3A_211 = arith.constant 0 : index
    %swap3A_212 = vector.load %arg8[%swap3A_209, %swap3A_210, %swap3A_211] : memref<8x1024x64xbf16, #tpu.memory_space<vmem>>, vector<1x1024x64xbf16>
    %swap3A_213 = vector.shape_cast %swap3A_212 : vector<1x1024x64xbf16> to vector<1024x64xbf16>
    %swap3A_214 = vector.shape_cast %convert_element_type3A_208 : vector<1024x64xbf16> to vector<1x1024x64xbf16>
    tpu.vector_store %arg8[%swap3A_209, %swap3A_210, %swap3A_211], %swap3A_214 {strides = array<i32>} : memref<8x1024x64xbf16, #tpu.memory_space<vmem>>, vector<1x1024x64xbf16>,
    %get3A_215 = arith.constant 6 : index
    %get3A_216 = arith.constant 0 : index
    %get3A_217 = arith.constant 0 : index
    %get3A_218 = vector.load %arg2[%get3A_215, %get3A_216, %get3A_217] : memref<8x1024x64xf32, #tpu.memory_space<vmem>>, vector<1x1024x64xf32>
    %get3A_219 = vector.shape_cast %get3A_218 : vector<1x1024x64xf32> to vector<1024x64xf32>
    %convert_element_type3A_220 = arith.truncf %get3A_219 : vector<1024x64xf32> to vector<1024x64xbf16>
    %swap3A_221 = arith.constant 0 : index
    %swap3A_222 = arith.constant 128 : index
    %swap3A_223 = vector.load %arg11[%swap3A_221, %swap3A_222] : memref<1024x256xbf16, #tpu.memory_space<vmem>>, vector<1024x64xbf16>
    tpu.vector_store %arg11[%swap3A_221, %swap3A_222], %convert_element_type3A_220 {strides = array<i32>} : memref<1024x256xbf16, #tpu.memory_space<vmem>>, vector<1024x64xbf16>,
    %get3A_224 = arith.constant 0 : index
    %get3A_225 = arith.constant 0 : index
    %get3A_226 = vector.load %arg11[%get3A_224, %get3A_225] : memref<1024x256xbf16, #tpu.memory_space<vmem>>, vector<1024x256xbf16>
    %get3A_227 = arith.constant 0 : index
    %get3A_228 = arith.constant 0 : index
    %get3A_229 = vector.load %arg4[%get3A_227, %get3A_228] : memref<256x512xbf16, #tpu.memory_space<vmem>>, vector<256x512xbf16>
    %dot_general3A_230 = arith.constant dense<0.000000e+00> : vector<1024x512xf32>
    %dot_general3A_231 = tpu.matmul %get3A_226, %get3A_229, %dot_general3A_230 {dimension_numbers = #tpu.dot_dimension_numbers<[1], [0], [0], [1], [0, 0, 1, 1], [], []>, transpose_lhs_hint = false} : vector<1024x256xbf16>, vector<256x512xbf16>, vector<1024x512xf32> -> vector<1024x512xf32>
    %slice3A_232 = vector.extract_strided_slice %dot_general3A_231 {offsets = [0, 0], sizes = [1024, 128], strides = [1, 1]} : vector<1024x512xf32> to vector<1024x128xf32>
    %tanh3A_233 = math.tanh %slice3A_232 : vector<1024x128xf32>
    %slice3A_234 = vector.extract_strided_slice %dot_general3A_231 {offsets = [0, 128], sizes = [1024, 128], strides = [1, 1]} : vector<1024x512xf32> to vector<1024x128xf32>
    %tanh3A_235 = math.tanh %slice3A_234 : vector<1024x128xf32>
    %slice3A_236 = vector.extract_strided_slice %dot_general3A_231 {offsets = [0, 256], sizes = [1024, 128], strides = [1, 1]} : vector<1024x512xf32> to vector<1024x128xf32>
    %tanh3A_237 = math.tanh %slice3A_236 : vector<1024x128xf32>
    %slice3A_238 = vector.extract_strided_slice %dot_general3A_231 {offsets = [0, 384], sizes = [1024, 128], strides = [1, 1]} : vector<1024x512xf32> to vector<1024x128xf32>
    %tanh3A_239 = math.tanh %slice3A_238 : vector<1024x128xf32>
    %mul3A_240 = arith.constant 5.000000e-01 : f32
    %mul3A_241 = vector.broadcast %mul3A_240 : f32 to vector<1024x128xf32>
    %mul3A_242 = arith.mulf %mul3A_241, %tanh3A_235 : vector<1024x128xf32>
    %add3A_243 = arith.constant 5.000000e-01 : f32
    %add3A_244 = vector.broadcast %add3A_243 : f32 to vector<1024x128xf32>
    %add3A_245 = arith.addf %mul3A_242, %add3A_244 : vector<1024x128xf32>
    %get3A_246 = arith.constant 0 : index
    %get3A_247 = arith.constant 0 : index
    %get3A_248 = vector.load %arg13[%get3A_246, %get3A_247] : memref<1024x128xf32, #tpu.memory_space<vmem>>, vector<1024x128xf32>
    %mul3A_249 = arith.mulf %add3A_245, %get3A_248 : vector<1024x128xf32>
    %mul3A_250 = arith.constant 5.000000e-01 : f32
    %mul3A_251 = vector.broadcast %mul3A_250 : f32 to vector<1024x128xf32>
    %mul3A_252 = arith.mulf %mul3A_251, %tanh3A_233 : vector<1024x128xf32>
    %add3A_253 = arith.constant 5.000000e-01 : f32
    %add3A_254 = vector.broadcast %add3A_253 : f32 to vector<1024x128xf32>
    %add3A_255 = arith.addf %mul3A_252, %add3A_254 : vector<1024x128xf32>
    %mul3A_256 = arith.mulf %add3A_255, %tanh3A_237 : vector<1024x128xf32>
    %add3A_257 = arith.addf %mul3A_249, %mul3A_256 : vector<1024x128xf32>
    %mul3A_258 = arith.constant 5.000000e-01 : f32
    %mul3A_259 = vector.broadcast %mul3A_258 : f32 to vector<1024x128xf32>
    %mul3A_260 = arith.mulf %mul3A_259, %tanh3A_239 : vector<1024x128xf32>
    %add3A_261 = arith.constant 5.000000e-01 : f32
    %add3A_262 = vector.broadcast %add3A_261 : f32 to vector<1024x128xf32>
    %add3A_263 = arith.addf %mul3A_260, %add3A_262 : vector<1024x128xf32>
    %tanh3A_264 = math.tanh %add3A_257 : vector<1024x128xf32>
    %mul3A_265 = arith.mulf %add3A_263, %tanh3A_264 : vector<1024x128xf32>
    %swap3A_266 = arith.constant 0 : index
    %swap3A_267 = arith.constant 0 : index
    %swap3A_268 = vector.load %arg13[%swap3A_266, %swap3A_267] : memref<1024x128xf32, #tpu.memory_space<vmem>>, vector<1024x128xf32>
    tpu.vector_store %arg13[%swap3A_266, %swap3A_267], %add3A_257 {strides = array<i32>} : memref<1024x128xf32, #tpu.memory_space<vmem>>, vector<1024x128xf32>,
    %convert_element_type3A_269 = arith.truncf %mul3A_265 : vector<1024x128xf32> to vector<1024x128xbf16>
    %swap3A_270 = arith.constant 0 : index
    %swap3A_271 = arith.constant 0 : index
    %swap3A_272 = vector.load %arg11[%swap3A_270, %swap3A_271] : memref<1024x256xbf16, #tpu.memory_space<vmem>>, vector<1024x128xbf16>
    tpu.vector_store %arg11[%swap3A_270, %swap3A_271], %convert_element_type3A_269 {strides = array<i32>} : memref<1024x256xbf16, #tpu.memory_space<vmem>>, vector<1024x128xbf16>,
    %get3A_273 = arith.constant 0 : index
    %get3A_274 = arith.constant 0 : index
    %get3A_275 = vector.load %arg6[%get3A_273, %get3A_274] : memref<128x64xbf16, #tpu.memory_space<vmem>>, vector<128x64xbf16>
    %dot_general3A_276 = arith.constant dense<0.000000e+00> : vector<1024x64xf32>
    %dot_general3A_277 = tpu.matmul %convert_element_type3A_269, %get3A_275, %dot_general3A_276 {dimension_numbers = #tpu.dot_dimension_numbers<[1], [0], [0], [1], [0, 0, 1, 1], [], []>, transpose_lhs_hint = false} : vector<1024x128xbf16>, vector<128x64xbf16>, vector<1024x64xf32> -> vector<1024x64xf32>
    %convert_element_type3A_278 = arith.truncf %dot_general3A_277 : vector<1024x64xf32> to vector<1024x64xbf16>
    %swap3A_279 = arith.constant 6 : index
    %swap3A_280 = arith.constant 0 : index
    %swap3A_281 = arith.constant 0 : index
    %swap3A_282 = vector.load %arg9[%swap3A_279, %swap3A_280, %swap3A_281] : memref<8x1024x64xbf16, #tpu.memory_space<vmem>>, vector<1x1024x64xbf16>
    %swap3A_283 = vector.shape_cast %swap3A_282 : vector<1x1024x64xbf16> to vector<1024x64xbf16>
    %swap3A_284 = vector.shape_cast %convert_element_type3A_278 : vector<1024x64xbf16> to vector<1x1024x64xbf16>
    tpu.vector_store %arg9[%swap3A_279, %swap3A_280, %swap3A_281], %swap3A_284 {strides = array<i32>} : memref<8x1024x64xbf16, #tpu.memory_space<vmem>>, vector<1x1024x64xbf16>,
    %get3A_285 = arith.constant 2 : index
    %get3A_286 = arith.constant 0 : index
    %get3A_287 = arith.constant 0 : index
    %get3A_288 = vector.load %arg1[%get3A_285, %get3A_286, %get3A_287] : memref<8x1024x64xf32, #tpu.memory_space<vmem>>, vector<1x1024x64xf32>
    %get3A_289 = vector.shape_cast %get3A_288 : vector<1x1024x64xf32> to vector<1024x64xf32>
    %convert_element_type3A_290 = arith.truncf %get3A_289 : vector<1024x64xf32> to vector<1024x64xbf16>
    %swap3A_291 = arith.constant 0 : index
    %swap3A_292 = arith.constant 128 : index
    %swap3A_293 = vector.load %arg10[%swap3A_291, %swap3A_292] : memref<1024x256xbf16, #tpu.memory_space<vmem>>, vector<1024x64xbf16>
    tpu.vector_store %arg10[%swap3A_291, %swap3A_292], %convert_element_type3A_290 {strides = array<i32>} : memref<1024x256xbf16, #tpu.memory_space<vmem>>, vector<1024x64xbf16>,
    %get3A_294 = arith.constant 0 : index
    %get3A_295 = arith.constant 0 : index
    %get3A_296 = vector.load %arg10[%get3A_294, %get3A_295] : memref<1024x256xbf16, #tpu.memory_space<vmem>>, vector<1024x256xbf16>
    %get3A_297 = arith.constant 0 : index
    %get3A_298 = arith.constant 0 : index
    %get3A_299 = vector.load %arg3[%get3A_297, %get3A_298] : memref<256x512xbf16, #tpu.memory_space<vmem>>, vector<256x512xbf16>
    %dot_general3A_300 = arith.constant dense<0.000000e+00> : vector<1024x512xf32>
    %dot_general3A_301 = tpu.matmul %get3A_296, %get3A_299, %dot_general3A_300 {dimension_numbers = #tpu.dot_dimension_numbers<[1], [0], [0], [1], [0, 0, 1, 1], [], []>, transpose_lhs_hint = false} : vector<1024x256xbf16>, vector<256x512xbf16>, vector<1024x512xf32> -> vector<1024x512xf32>
    %slice3A_302 = vector.extract_strided_slice %dot_general3A_301 {offsets = [0, 0], sizes = [1024, 128], strides = [1, 1]} : vector<1024x512xf32> to vector<1024x128xf32>
    %tanh3A_303 = math.tanh %slice3A_302 : vector<1024x128xf32>
    %slice3A_304 = vector.extract_strided_slice %dot_general3A_301 {offsets = [0, 128], sizes = [1024, 128], strides = [1, 1]} : vector<1024x512xf32> to vector<1024x128xf32>
    %tanh3A_305 = math.tanh %slice3A_304 : vector<1024x128xf32>
    %slice3A_306 = vector.extract_strided_slice %dot_general3A_301 {offsets = [0, 256], sizes = [1024, 128], strides = [1, 1]} : vector<1024x512xf32> to vector<1024x128xf32>
    %tanh3A_307 = math.tanh %slice3A_306 : vector<1024x128xf32>
    %slice3A_308 = vector.extract_strided_slice %dot_general3A_301 {offsets = [0, 384], sizes = [1024, 128], strides = [1, 1]} : vector<1024x512xf32> to vector<1024x128xf32>
    %tanh3A_309 = math.tanh %slice3A_308 : vector<1024x128xf32>
    %mul3A_310 = arith.constant 5.000000e-01 : f32
    %mul3A_311 = vector.broadcast %mul3A_310 : f32 to vector<1024x128xf32>
    %mul3A_312 = arith.mulf %mul3A_311, %tanh3A_305 : vector<1024x128xf32>
    %add3A_313 = arith.constant 5.000000e-01 : f32
    %add3A_314 = vector.broadcast %add3A_313 : f32 to vector<1024x128xf32>
    %add3A_315 = arith.addf %mul3A_312, %add3A_314 : vector<1024x128xf32>
    %get3A_316 = arith.constant 0 : index
    %get3A_317 = arith.constant 0 : index
    %get3A_318 = vector.load %arg12[%get3A_316, %get3A_317] : memref<1024x128xf32, #tpu.memory_space<vmem>>, vector<1024x128xf32>
    %mul3A_319 = arith.mulf %add3A_315, %get3A_318 : vector<1024x128xf32>
    %mul3A_320 = arith.constant 5.000000e-01 : f32
    %mul3A_321 = vector.broadcast %mul3A_320 : f32 to vector<1024x128xf32>
    %mul3A_322 = arith.mulf %mul3A_321, %tanh3A_303 : vector<1024x128xf32>
    %add3A_323 = arith.constant 5.000000e-01 : f32
    %add3A_324 = vector.broadcast %add3A_323 : f32 to vector<1024x128xf32>
    %add3A_325 = arith.addf %mul3A_322, %add3A_324 : vector<1024x128xf32>
    %mul3A_326 = arith.mulf %add3A_325, %tanh3A_307 : vector<1024x128xf32>
    %add3A_327 = arith.addf %mul3A_319, %mul3A_326 : vector<1024x128xf32>
    %mul3A_328 = arith.constant 5.000000e-01 : f32
    %mul3A_329 = vector.broadcast %mul3A_328 : f32 to vector<1024x128xf32>
    %mul3A_330 = arith.mulf %mul3A_329, %tanh3A_309 : vector<1024x128xf32>
    %add3A_331 = arith.constant 5.000000e-01 : f32
    %add3A_332 = vector.broadcast %add3A_331 : f32 to vector<1024x128xf32>
    %add3A_333 = arith.addf %mul3A_330, %add3A_332 : vector<1024x128xf32>
    %tanh3A_334 = math.tanh %add3A_327 : vector<1024x128xf32>
    %mul3A_335 = arith.mulf %add3A_333, %tanh3A_334 : vector<1024x128xf32>
    %swap3A_336 = arith.constant 0 : index
    %swap3A_337 = arith.constant 0 : index
    %swap3A_338 = vector.load %arg12[%swap3A_336, %swap3A_337] : memref<1024x128xf32, #tpu.memory_space<vmem>>, vector<1024x128xf32>
    tpu.vector_store %arg12[%swap3A_336, %swap3A_337], %add3A_327 {strides = array<i32>} : memref<1024x128xf32, #tpu.memory_space<vmem>>, vector<1024x128xf32>,
    %convert_element_type3A_339 = arith.truncf %mul3A_335 : vector<1024x128xf32> to vector<1024x128xbf16>
    %swap3A_340 = arith.constant 0 : index
    %swap3A_341 = arith.constant 0 : index
    %swap3A_342 = vector.load %arg10[%swap3A_340, %swap3A_341] : memref<1024x256xbf16, #tpu.memory_space<vmem>>, vector<1024x128xbf16>
    tpu.vector_store %arg10[%swap3A_340, %swap3A_341], %convert_element_type3A_339 {strides = array<i32>} : memref<1024x256xbf16, #tpu.memory_space<vmem>>, vector<1024x128xbf16>,
    %get3A_343 = arith.constant 0 : index
    %get3A_344 = arith.constant 0 : index
    %get3A_345 = vector.load %arg5[%get3A_343, %get3A_344] : memref<128x64xbf16, #tpu.memory_space<vmem>>, vector<128x64xbf16>
    %dot_general3A_346 = arith.constant dense<0.000000e+00> : vector<1024x64xf32>
    %dot_general3A_347 = tpu.matmul %convert_element_type3A_339, %get3A_345, %dot_general3A_346 {dimension_numbers = #tpu.dot_dimension_numbers<[1], [0], [0], [1], [0, 0, 1, 1], [], []>, transpose_lhs_hint = false} : vector<1024x128xbf16>, vector<128x64xbf16>, vector<1024x64xf32> -> vector<1024x64xf32>
    %get3A_348 = arith.constant 0 : index
    %get3A_349 = arith.constant 0 : index
    %get3A_350 = vector.load %arg7[%get3A_348, %get3A_349] : memref<1x64xf32, #tpu.memory_space<vmem>>, vector<1x64xf32>
    %add3A_351 = vector.broadcast %get3A_350 : vector<1x64xf32> to vector<1024x64xf32>
    %add3A_352 = arith.addf %dot_general3A_347, %add3A_351 : vector<1024x64xf32>
    %convert_element_type3A_353 = arith.truncf %add3A_352 : vector<1024x64xf32> to vector<1024x64xbf16>
    %swap3A_354 = arith.constant 2 : index
    %swap3A_355 = arith.constant 0 : index
    %swap3A_356 = arith.constant 0 : index
    %swap3A_357 = vector.load %arg8[%swap3A_354, %swap3A_355, %swap3A_356] : memref<8x1024x64xbf16, #tpu.memory_space<vmem>>, vector<1x1024x64xbf16>
    %swap3A_358 = vector.shape_cast %swap3A_357 : vector<1x1024x64xbf16> to vector<1024x64xbf16>
    %swap3A_359 = vector.shape_cast %convert_element_type3A_353 : vector<1024x64xbf16> to vector<1x1024x64xbf16>
    tpu.vector_store %arg8[%swap3A_354, %swap3A_355, %swap3A_356], %swap3A_359 {strides = array<i32>} : memref<8x1024x64xbf16, #tpu.memory_space<vmem>>, vector<1x1024x64xbf16>,
    %get3A_360 = arith.constant 5 : index
    %get3A_361 = arith.constant 0 : index
    %get3A_362 = arith.constant 0 : index
    %get3A_363 = vector.load %arg2[%get3A_360, %get3A_361, %get3A_362] : memref<8x1024x64xf32, #tpu.memory_space<vmem>>, vector<1x1024x64xf32>
    %get3A_364 = vector.shape_cast %get3A_363 : vector<1x1024x64xf32> to vector<1024x64xf32>
    %convert_element_type3A_365 = arith.truncf %get3A_364 : vector<1024x64xf32> to vector<1024x64xbf16>
    %swap3A_366 = arith.constant 0 : index
    %swap3A_367 = arith.constant 128 : index
    %swap3A_368 = vector.load %arg11[%swap3A_366, %swap3A_367] : memref<1024x256xbf16, #tpu.memory_space<vmem>>, vector<1024x64xbf16>
    tpu.vector_store %arg11[%swap3A_366, %swap3A_367], %convert_element_type3A_365 {strides = array<i32>} : memref<1024x256xbf16, #tpu.memory_space<vmem>>, vector<1024x64xbf16>,
    %get3A_369 = arith.constant 0 : index
    %get3A_370 = arith.constant 0 : index
    %get3A_371 = vector.load %arg11[%get3A_369, %get3A_370] : memref<1024x256xbf16, #tpu.memory_space<vmem>>, vector<1024x256xbf16>
    %get3A_372 = arith.constant 0 : index
    %get3A_373 = arith.constant 0 : index
    %get3A_374 = vector.load %arg4[%get3A_372, %get3A_373] : memref<256x512xbf16, #tpu.memory_space<vmem>>, vector<256x512xbf16>
    %dot_general3A_375 = arith.constant dense<0.000000e+00> : vector<1024x512xf32>
    %dot_general3A_376 = tpu.matmul %get3A_371, %get3A_374, %dot_general3A_375 {dimension_numbers = #tpu.dot_dimension_numbers<[1], [0], [0], [1], [0, 0, 1, 1], [], []>, transpose_lhs_hint = false} : vector<1024x256xbf16>, vector<256x512xbf16>, vector<1024x512xf32> -> vector<1024x512xf32>
    %slice3A_377 = vector.extract_strided_slice %dot_general3A_376 {offsets = [0, 0], sizes = [1024, 128], strides = [1, 1]} : vector<1024x512xf32> to vector<1024x128xf32>
    %tanh3A_378 = math.tanh %slice3A_377 : vector<1024x128xf32>
    %slice3A_379 = vector.extract_strided_slice %dot_general3A_376 {offsets = [0, 128], sizes = [1024, 128], strides = [1, 1]} : vector<1024x512xf32> to vector<1024x128xf32>
    %tanh3A_380 = math.tanh %slice3A_379 : vector<1024x128xf32>
    %slice3A_381 = vector.extract_strided_slice %dot_general3A_376 {offsets = [0, 256], sizes = [1024, 128], strides = [1, 1]} : vector<1024x512xf32> to vector<1024x128xf32>
    %tanh3A_382 = math.tanh %slice3A_381 : vector<1024x128xf32>
    %slice3A_383 = vector.extract_strided_slice %dot_general3A_376 {offsets = [0, 384], sizes = [1024, 128], strides = [1, 1]} : vector<1024x512xf32> to vector<1024x128xf32>
    %tanh3A_384 = math.tanh %slice3A_383 : vector<1024x128xf32>
    %mul3A_385 = arith.constant 5.000000e-01 : f32
    %mul3A_386 = vector.broadcast %mul3A_385 : f32 to vector<1024x128xf32>
    %mul3A_387 = arith.mulf %mul3A_386, %tanh3A_380 : vector<1024x128xf32>
    %add3A_388 = arith.constant 5.000000e-01 : f32
    %add3A_389 = vector.broadcast %add3A_388 : f32 to vector<1024x128xf32>
    %add3A_390 = arith.addf %mul3A_387, %add3A_389 : vector<1024x128xf32>
    %get3A_391 = arith.constant 0 : index
    %get3A_392 = arith.constant 0 : index
    %get3A_393 = vector.load %arg13[%get3A_391, %get3A_392] : memref<1024x128xf32, #tpu.memory_space<vmem>>, vector<1024x128xf32>
    %mul3A_394 = arith.mulf %add3A_390, %get3A_393 : vector<1024x128xf32>
    %mul3A_395 = arith.constant 5.000000e-01 : f32
    %mul3A_396 = vector.broadcast %mul3A_395 : f32 to vector<1024x128xf32>
    %mul3A_397 = arith.mulf %mul3A_396, %tanh3A_378 : vector<1024x128xf32>
    %add3A_398 = arith.constant 5.000000e-01 : f32
    %add3A_399 = vector.broadcast %add3A_398 : f32 to vector<1024x128xf32>
    %add3A_400 = arith.addf %mul3A_397, %add3A_399 : vector<1024x128xf32>
    %mul3A_401 = arith.mulf %add3A_400, %tanh3A_382 : vector<1024x128xf32>
    %add3A_402 = arith.addf %mul3A_394, %mul3A_401 : vector<1024x128xf32>
    %mul3A_403 = arith.constant 5.000000e-01 : f32
    %mul3A_404 = vector.broadcast %mul3A_403 : f32 to vector<1024x128xf32>
    %mul3A_405 = arith.mulf %mul3A_404, %tanh3A_384 : vector<1024x128xf32>
    %add3A_406 = arith.constant 5.000000e-01 : f32
    %add3A_407 = vector.broadcast %add3A_406 : f32 to vector<1024x128xf32>
    %add3A_408 = arith.addf %mul3A_405, %add3A_407 : vector<1024x128xf32>
    %tanh3A_409 = math.tanh %add3A_402 : vector<1024x128xf32>
    %mul3A_410 = arith.mulf %add3A_408, %tanh3A_409 : vector<1024x128xf32>
    %swap3A_411 = arith.constant 0 : index
    %swap3A_412 = arith.constant 0 : index
    %swap3A_413 = vector.load %arg13[%swap3A_411, %swap3A_412] : memref<1024x128xf32, #tpu.memory_space<vmem>>, vector<1024x128xf32>
    tpu.vector_store %arg13[%swap3A_411, %swap3A_412], %add3A_402 {strides = array<i32>} : memref<1024x128xf32, #tpu.memory_space<vmem>>, vector<1024x128xf32>,
    %convert_element_type3A_414 = arith.truncf %mul3A_410 : vector<1024x128xf32> to vector<1024x128xbf16>
    %swap3A_415 = arith.constant 0 : index
    %swap3A_416 = arith.constant 0 : index
    %swap3A_417 = vector.load %arg11[%swap3A_415, %swap3A_416] : memref<1024x256xbf16, #tpu.memory_space<vmem>>, vector<1024x128xbf16>
    tpu.vector_store %arg11[%swap3A_415, %swap3A_416], %convert_element_type3A_414 {strides = array<i32>} : memref<1024x256xbf16, #tpu.memory_space<vmem>>, vector<1024x128xbf16>,
    %get3A_418 = arith.constant 0 : index
    %get3A_419 = arith.constant 0 : index
    %get3A_420 = vector.load %arg6[%get3A_418, %get3A_419] : memref<128x64xbf16, #tpu.memory_space<vmem>>, vector<128x64xbf16>
    %dot_general3A_421 = arith.constant dense<0.000000e+00> : vector<1024x64xf32>
    %dot_general3A_422 = tpu.matmul %convert_element_type3A_414, %get3A_420, %dot_general3A_421 {dimension_numbers = #tpu.dot_dimension_numbers<[1], [0], [0], [1], [0, 0, 1, 1], [], []>, transpose_lhs_hint = false} : vector<1024x128xbf16>, vector<128x64xbf16>, vector<1024x64xf32> -> vector<1024x64xf32>
    %convert_element_type3A_423 = arith.truncf %dot_general3A_422 : vector<1024x64xf32> to vector<1024x64xbf16>
    %swap3A_424 = arith.constant 5 : index
    %swap3A_425 = arith.constant 0 : index
    %swap3A_426 = arith.constant 0 : index
    %swap3A_427 = vector.load %arg9[%swap3A_424, %swap3A_425, %swap3A_426] : memref<8x1024x64xbf16, #tpu.memory_space<vmem>>, vector<1x1024x64xbf16>
    %swap3A_428 = vector.shape_cast %swap3A_427 : vector<1x1024x64xbf16> to vector<1024x64xbf16>
    %swap3A_429 = vector.shape_cast %convert_element_type3A_423 : vector<1024x64xbf16> to vector<1x1024x64xbf16>
    tpu.vector_store %arg9[%swap3A_424, %swap3A_425, %swap3A_426], %swap3A_429 {strides = array<i32>} : memref<8x1024x64xbf16, #tpu.memory_space<vmem>>, vector<1x1024x64xbf16>,
    %get3A_430 = arith.constant 3 : index
    %get3A_431 = arith.constant 0 : index
    %get3A_432 = arith.constant 0 : index
    %get3A_433 = vector.load %arg1[%get3A_430, %get3A_431, %get3A_432] : memref<8x1024x64xf32, #tpu.memory_space<vmem>>, vector<1x1024x64xf32>
    %get3A_434 = vector.shape_cast %get3A_433 : vector<1x1024x64xf32> to vector<1024x64xf32>
    %convert_element_type3A_435 = arith.truncf %get3A_434 : vector<1024x64xf32> to vector<1024x64xbf16>
    %swap3A_436 = arith.constant 0 : index
    %swap3A_437 = arith.constant 128 : index
    %swap3A_438 = vector.load %arg10[%swap3A_436, %swap3A_437] : memref<1024x256xbf16, #tpu.memory_space<vmem>>, vector<1024x64xbf16>
    tpu.vector_store %arg10[%swap3A_436, %swap3A_437], %convert_element_type3A_435 {strides = array<i32>} : memref<1024x256xbf16, #tpu.memory_space<vmem>>, vector<1024x64xbf16>,
    %get3A_439 = arith.constant 0 : index
    %get3A_440 = arith.constant 0 : index
    %get3A_441 = vector.load %arg10[%get3A_439, %get3A_440] : memref<1024x256xbf16, #tpu.memory_space<vmem>>, vector<1024x256xbf16>
    %get3A_442 = arith.constant 0 : index
    %get3A_443 = arith.constant 0 : index
    %get3A_444 = vector.load %arg3[%get3A_442, %get3A_443] : memref<256x512xbf16, #tpu.memory_space<vmem>>, vector<256x512xbf16>
    %dot_general3A_445 = arith.constant dense<0.000000e+00> : vector<1024x512xf32>
    %dot_general3A_446 = tpu.matmul %get3A_441, %get3A_444, %dot_general3A_445 {dimension_numbers = #tpu.dot_dimension_numbers<[1], [0], [0], [1], [0, 0, 1, 1], [], []>, transpose_lhs_hint = false} : vector<1024x256xbf16>, vector<256x512xbf16>, vector<1024x512xf32> -> vector<1024x512xf32>
    %slice3A_447 = vector.extract_strided_slice %dot_general3A_446 {offsets = [0, 0], sizes = [1024, 128], strides = [1, 1]} : vector<1024x512xf32> to vector<1024x128xf32>
    %tanh3A_448 = math.tanh %slice3A_447 : vector<1024x128xf32>
    %slice3A_449 = vector.extract_strided_slice %dot_general3A_446 {offsets = [0, 128], sizes = [1024, 128], strides = [1, 1]} : vector<1024x512xf32> to vector<1024x128xf32>
    %tanh3A_450 = math.tanh %slice3A_449 : vector<1024x128xf32>
    %slice3A_451 = vector.extract_strided_slice %dot_general3A_446 {offsets = [0, 256], sizes = [1024, 128], strides = [1, 1]} : vector<1024x512xf32> to vector<1024x128xf32>
    %tanh3A_452 = math.tanh %slice3A_451 : vector<1024x128xf32>
    %slice3A_453 = vector.extract_strided_slice %dot_general3A_446 {offsets = [0, 384], sizes = [1024, 128], strides = [1, 1]} : vector<1024x512xf32> to vector<1024x128xf32>
    %tanh3A_454 = math.tanh %slice3A_453 : vector<1024x128xf32>
    %mul3A_455 = arith.constant 5.000000e-01 : f32
    %mul3A_456 = vector.broadcast %mul3A_455 : f32 to vector<1024x128xf32>
    %mul3A_457 = arith.mulf %mul3A_456, %tanh3A_450 : vector<1024x128xf32>
    %add3A_458 = arith.constant 5.000000e-01 : f32
    %add3A_459 = vector.broadcast %add3A_458 : f32 to vector<1024x128xf32>
    %add3A_460 = arith.addf %mul3A_457, %add3A_459 : vector<1024x128xf32>
    %get3A_461 = arith.constant 0 : index
    %get3A_462 = arith.constant 0 : index
    %get3A_463 = vector.load %arg12[%get3A_461, %get3A_462] : memref<1024x128xf32, #tpu.memory_space<vmem>>, vector<1024x128xf32>
    %mul3A_464 = arith.mulf %add3A_460, %get3A_463 : vector<1024x128xf32>
    %mul3A_465 = arith.constant 5.000000e-01 : f32
    %mul3A_466 = vector.broadcast %mul3A_465 : f32 to vector<1024x128xf32>
    %mul3A_467 = arith.mulf %mul3A_466, %tanh3A_448 : vector<1024x128xf32>
    %add3A_468 = arith.constant 5.000000e-01 : f32
    %add3A_469 = vector.broadcast %add3A_468 : f32 to vector<1024x128xf32>
    %add3A_470 = arith.addf %mul3A_467, %add3A_469 : vector<1024x128xf32>
    %mul3A_471 = arith.mulf %add3A_470, %tanh3A_452 : vector<1024x128xf32>
    %add3A_472 = arith.addf %mul3A_464, %mul3A_471 : vector<1024x128xf32>
    %mul3A_473 = arith.constant 5.000000e-01 : f32
    %mul3A_474 = vector.broadcast %mul3A_473 : f32 to vector<1024x128xf32>
    %mul3A_475 = arith.mulf %mul3A_474, %tanh3A_454 : vector<1024x128xf32>
    %add3A_476 = arith.constant 5.000000e-01 : f32
    %add3A_477 = vector.broadcast %add3A_476 : f32 to vector<1024x128xf32>
    %add3A_478 = arith.addf %mul3A_475, %add3A_477 : vector<1024x128xf32>
    %tanh3A_479 = math.tanh %add3A_472 : vector<1024x128xf32>
    %mul3A_480 = arith.mulf %add3A_478, %tanh3A_479 : vector<1024x128xf32>
    %swap3A_481 = arith.constant 0 : index
    %swap3A_482 = arith.constant 0 : index
    %swap3A_483 = vector.load %arg12[%swap3A_481, %swap3A_482] : memref<1024x128xf32, #tpu.memory_space<vmem>>, vector<1024x128xf32>
    tpu.vector_store %arg12[%swap3A_481, %swap3A_482], %add3A_472 {strides = array<i32>} : memref<1024x128xf32, #tpu.memory_space<vmem>>, vector<1024x128xf32>,
    %convert_element_type3A_484 = arith.truncf %mul3A_480 : vector<1024x128xf32> to vector<1024x128xbf16>
    %swap3A_485 = arith.constant 0 : index
    %swap3A_486 = arith.constant 0 : index
    %swap3A_487 = vector.load %arg10[%swap3A_485, %swap3A_486] : memref<1024x256xbf16, #tpu.memory_space<vmem>>, vector<1024x128xbf16>
    tpu.vector_store %arg10[%swap3A_485, %swap3A_486], %convert_element_type3A_484 {strides = array<i32>} : memref<1024x256xbf16, #tpu.memory_space<vmem>>, vector<1024x128xbf16>,
    %get3A_488 = arith.constant 0 : index
    %get3A_489 = arith.constant 0 : index
    %get3A_490 = vector.load %arg5[%get3A_488, %get3A_489] : memref<128x64xbf16, #tpu.memory_space<vmem>>, vector<128x64xbf16>
    %dot_general3A_491 = arith.constant dense<0.000000e+00> : vector<1024x64xf32>
    %dot_general3A_492 = tpu.matmul %convert_element_type3A_484, %get3A_490, %dot_general3A_491 {dimension_numbers = #tpu.dot_dimension_numbers<[1], [0], [0], [1], [0, 0, 1, 1], [], []>, transpose_lhs_hint = false} : vector<1024x128xbf16>, vector<128x64xbf16>, vector<1024x64xf32> -> vector<1024x64xf32>
    %get3A_493 = arith.constant 0 : index
    %get3A_494 = arith.constant 0 : index
    %get3A_495 = vector.load %arg7[%get3A_493, %get3A_494] : memref<1x64xf32, #tpu.memory_space<vmem>>, vector<1x64xf32>
    %add3A_496 = vector.broadcast %get3A_495 : vector<1x64xf32> to vector<1024x64xf32>
    %add3A_497 = arith.addf %dot_general3A_492, %add3A_496 : vector<1024x64xf32>
    %convert_element_type3A_498 = arith.truncf %add3A_497 : vector<1024x64xf32> to vector<1024x64xbf16>
    %swap3A_499 = arith.constant 3 : index
    %swap3A_500 = arith.constant 0 : index
    %swap3A_501 = arith.constant 0 : index
    %swap3A_502 = vector.load %arg8[%swap3A_499, %swap3A_500, %swap3A_501] : memref<8x1024x64xbf16, #tpu.memory_space<vmem>>, vector<1x1024x64xbf16>
    %swap3A_503 = vector.shape_cast %swap3A_502 : vector<1x1024x64xbf16> to vector<1024x64xbf16>
    %swap3A_504 = vector.shape_cast %convert_element_type3A_498 : vector<1024x64xbf16> to vector<1x1024x64xbf16>
    tpu.vector_store %arg8[%swap3A_499, %swap3A_500, %swap3A_501], %swap3A_504 {strides = array<i32>} : memref<8x1024x64xbf16, #tpu.memory_space<vmem>>, vector<1x1024x64xbf16>,
    %get3A_505 = arith.constant 4 : index
    %get3A_506 = arith.constant 0 : index
    %get3A_507 = arith.constant 0 : index
    %get3A_508 = vector.load %arg2[%get3A_505, %get3A_506, %get3A_507] : memref<8x1024x64xf32, #tpu.memory_space<vmem>>, vector<1x1024x64xf32>
    %get3A_509 = vector.shape_cast %get3A_508 : vector<1x1024x64xf32> to vector<1024x64xf32>
    %convert_element_type3A_510 = arith.truncf %get3A_509 : vector<1024x64xf32> to vector<1024x64xbf16>
    %swap3A_511 = arith.constant 0 : index
    %swap3A_512 = arith.constant 128 : index
    %swap3A_513 = vector.load %arg11[%swap3A_511, %swap3A_512] : memref<1024x256xbf16, #tpu.memory_space<vmem>>, vector<1024x64xbf16>
    tpu.vector_store %arg11[%swap3A_511, %swap3A_512], %convert_element_type3A_510 {strides = array<i32>} : memref<1024x256xbf16, #tpu.memory_space<vmem>>, vector<1024x64xbf16>,
    %get3A_514 = arith.constant 0 : index
    %get3A_515 = arith.constant 0 : index
    %get3A_516 = vector.load %arg11[%get3A_514, %get3A_515] : memref<1024x256xbf16, #tpu.memory_space<vmem>>, vector<1024x256xbf16>
    %get3A_517 = arith.constant 0 : index
    %get3A_518 = arith.constant 0 : index
    %get3A_519 = vector.load %arg4[%get3A_517, %get3A_518] : memref<256x512xbf16, #tpu.memory_space<vmem>>, vector<256x512xbf16>
    %dot_general3A_520 = arith.constant dense<0.000000e+00> : vector<1024x512xf32>
    %dot_general3A_521 = tpu.matmul %get3A_516, %get3A_519, %dot_general3A_520 {dimension_numbers = #tpu.dot_dimension_numbers<[1], [0], [0], [1], [0, 0, 1, 1], [], []>, transpose_lhs_hint = false} : vector<1024x256xbf16>, vector<256x512xbf16>, vector<1024x512xf32> -> vector<1024x512xf32>
    %slice3A_522 = vector.extract_strided_slice %dot_general3A_521 {offsets = [0, 0], sizes = [1024, 128], strides = [1, 1]} : vector<1024x512xf32> to vector<1024x128xf32>
    %tanh3A_523 = math.tanh %slice3A_522 : vector<1024x128xf32>
    %slice3A_524 = vector.extract_strided_slice %dot_general3A_521 {offsets = [0, 128], sizes = [1024, 128], strides = [1, 1]} : vector<1024x512xf32> to vector<1024x128xf32>
    %tanh3A_525 = math.tanh %slice3A_524 : vector<1024x128xf32>
    %slice3A_526 = vector.extract_strided_slice %dot_general3A_521 {offsets = [0, 256], sizes = [1024, 128], strides = [1, 1]} : vector<1024x512xf32> to vector<1024x128xf32>
    %tanh3A_527 = math.tanh %slice3A_526 : vector<1024x128xf32>
    %slice3A_528 = vector.extract_strided_slice %dot_general3A_521 {offsets = [0, 384], sizes = [1024, 128], strides = [1, 1]} : vector<1024x512xf32> to vector<1024x128xf32>
    %tanh3A_529 = math.tanh %slice3A_528 : vector<1024x128xf32>
    %mul3A_530 = arith.constant 5.000000e-01 : f32
    %mul3A_531 = vector.broadcast %mul3A_530 : f32 to vector<1024x128xf32>
    %mul3A_532 = arith.mulf %mul3A_531, %tanh3A_525 : vector<1024x128xf32>
    %add3A_533 = arith.constant 5.000000e-01 : f32
    %add3A_534 = vector.broadcast %add3A_533 : f32 to vector<1024x128xf32>
    %add3A_535 = arith.addf %mul3A_532, %add3A_534 : vector<1024x128xf32>
    %get3A_536 = arith.constant 0 : index
    %get3A_537 = arith.constant 0 : index
    %get3A_538 = vector.load %arg13[%get3A_536, %get3A_537] : memref<1024x128xf32, #tpu.memory_space<vmem>>, vector<1024x128xf32>
    %mul3A_539 = arith.mulf %add3A_535, %get3A_538 : vector<1024x128xf32>
    %mul3A_540 = arith.constant 5.000000e-01 : f32
    %mul3A_541 = vector.broadcast %mul3A_540 : f32 to vector<1024x128xf32>
    %mul3A_542 = arith.mulf %mul3A_541, %tanh3A_523 : vector<1024x128xf32>
    %add3A_543 = arith.constant 5.000000e-01 : f32
    %add3A_544 = vector.broadcast %add3A_543 : f32 to vector<1024x128xf32>
    %add3A_545 = arith.addf %mul3A_542, %add3A_544 : vector<1024x128xf32>
    %mul3A_546 = arith.mulf %add3A_545, %tanh3A_527 : vector<1024x128xf32>
    %add3A_547 = arith.addf %mul3A_539, %mul3A_546 : vector<1024x128xf32>
    %mul3A_548 = arith.constant 5.000000e-01 : f32
    %mul3A_549 = vector.broadcast %mul3A_548 : f32 to vector<1024x128xf32>
    %mul3A_550 = arith.mulf %mul3A_549, %tanh3A_529 : vector<1024x128xf32>
    %add3A_551 = arith.constant 5.000000e-01 : f32
    %add3A_552 = vector.broadcast %add3A_551 : f32 to vector<1024x128xf32>
    %add3A_553 = arith.addf %mul3A_550, %add3A_552 : vector<1024x128xf32>
    %tanh3A_554 = math.tanh %add3A_547 : vector<1024x128xf32>
    %mul3A_555 = arith.mulf %add3A_553, %tanh3A_554 : vector<1024x128xf32>
    %swap3A_556 = arith.constant 0 : index
    %swap3A_557 = arith.constant 0 : index
    %swap3A_558 = vector.load %arg13[%swap3A_556, %swap3A_557] : memref<1024x128xf32, #tpu.memory_space<vmem>>, vector<1024x128xf32>
    tpu.vector_store %arg13[%swap3A_556, %swap3A_557], %add3A_547 {strides = array<i32>} : memref<1024x128xf32, #tpu.memory_space<vmem>>, vector<1024x128xf32>,
    %convert_element_type3A_559 = arith.truncf %mul3A_555 : vector<1024x128xf32> to vector<1024x128xbf16>
    %swap3A_560 = arith.constant 0 : index
    %swap3A_561 = arith.constant 0 : index
    %swap3A_562 = vector.load %arg11[%swap3A_560, %swap3A_561] : memref<1024x256xbf16, #tpu.memory_space<vmem>>, vector<1024x128xbf16>
    tpu.vector_store %arg11[%swap3A_560, %swap3A_561], %convert_element_type3A_559 {strides = array<i32>} : memref<1024x256xbf16, #tpu.memory_space<vmem>>, vector<1024x128xbf16>,
    %get3A_563 = arith.constant 0 : index
    %get3A_564 = arith.constant 0 : index
    %get3A_565 = vector.load %arg6[%get3A_563, %get3A_564] : memref<128x64xbf16, #tpu.memory_space<vmem>>, vector<128x64xbf16>
    %dot_general3A_566 = arith.constant dense<0.000000e+00> : vector<1024x64xf32>
    %dot_general3A_567 = tpu.matmul %convert_element_type3A_559, %get3A_565, %dot_general3A_566 {dimension_numbers = #tpu.dot_dimension_numbers<[1], [0], [0], [1], [0, 0, 1, 1], [], []>, transpose_lhs_hint = false} : vector<1024x128xbf16>, vector<128x64xbf16>, vector<1024x64xf32> -> vector<1024x64xf32>
    %convert_element_type3A_568 = arith.truncf %dot_general3A_567 : vector<1024x64xf32> to vector<1024x64xbf16>
    %swap3A_569 = arith.constant 4 : index
    %swap3A_570 = arith.constant 0 : index
    %swap3A_571 = arith.constant 0 : index
    %swap3A_572 = vector.load %arg9[%swap3A_569, %swap3A_570, %swap3A_571] : memref<8x1024x64xbf16, #tpu.memory_space<vmem>>, vector<1x1024x64xbf16>
    %swap3A_573 = vector.shape_cast %swap3A_572 : vector<1x1024x64xbf16> to vector<1024x64xbf16>
    %swap3A_574 = vector.shape_cast %convert_element_type3A_568 : vector<1024x64xbf16> to vector<1x1024x64xbf16>
    tpu.vector_store %arg9[%swap3A_569, %swap3A_570, %swap3A_571], %swap3A_574 {strides = array<i32>} : memref<8x1024x64xbf16, #tpu.memory_space<vmem>>, vector<1x1024x64xbf16>,
    %get3A_575 = arith.constant 4 : index
    %get3A_576 = arith.constant 0 : index
    %get3A_577 = arith.constant 0 : index
    %get3A_578 = vector.load %arg1[%get3A_575, %get3A_576, %get3A_577] : memref<8x1024x64xf32, #tpu.memory_space<vmem>>, vector<1x1024x64xf32>
    %get3A_579 = vector.shape_cast %get3A_578 : vector<1x1024x64xf32> to vector<1024x64xf32>
    %convert_element_type3A_580 = arith.truncf %get3A_579 : vector<1024x64xf32> to vector<1024x64xbf16>
    %swap3A_581 = arith.constant 0 : index
    %swap3A_582 = arith.constant 128 : index
    %swap3A_583 = vector.load %arg10[%swap3A_581, %swap3A_582] : memref<1024x256xbf16, #tpu.memory_space<vmem>>, vector<1024x64xbf16>
    tpu.vector_store %arg10[%swap3A_581, %swap3A_582], %convert_element_type3A_580 {strides = array<i32>} : memref<1024x256xbf16, #tpu.memory_space<vmem>>, vector<1024x64xbf16>,
    %get3A_584 = arith.constant 0 : index
    %get3A_585 = arith.constant 0 : index
    %get3A_586 = vector.load %arg10[%get3A_584, %get3A_585] : memref<1024x256xbf16, #tpu.memory_space<vmem>>, vector<1024x256xbf16>
    %get3A_587 = arith.constant 0 : index
    %get3A_588 = arith.constant 0 : index
    %get3A_589 = vector.load %arg3[%get3A_587, %get3A_588] : memref<256x512xbf16, #tpu.memory_space<vmem>>, vector<256x512xbf16>
    %dot_general3A_590 = arith.constant dense<0.000000e+00> : vector<1024x512xf32>
    %dot_general3A_591 = tpu.matmul %get3A_586, %get3A_589, %dot_general3A_590 {dimension_numbers = #tpu.dot_dimension_numbers<[1], [0], [0], [1], [0, 0, 1, 1], [], []>, transpose_lhs_hint = false} : vector<1024x256xbf16>, vector<256x512xbf16>, vector<1024x512xf32> -> vector<1024x512xf32>
    %slice3A_592 = vector.extract_strided_slice %dot_general3A_591 {offsets = [0, 0], sizes = [1024, 128], strides = [1, 1]} : vector<1024x512xf32> to vector<1024x128xf32>
    %tanh3A_593 = math.tanh %slice3A_592 : vector<1024x128xf32>
    %slice3A_594 = vector.extract_strided_slice %dot_general3A_591 {offsets = [0, 128], sizes = [1024, 128], strides = [1, 1]} : vector<1024x512xf32> to vector<1024x128xf32>
    %tanh3A_595 = math.tanh %slice3A_594 : vector<1024x128xf32>
    %slice3A_596 = vector.extract_strided_slice %dot_general3A_591 {offsets = [0, 256], sizes = [1024, 128], strides = [1, 1]} : vector<1024x512xf32> to vector<1024x128xf32>
    %tanh3A_597 = math.tanh %slice3A_596 : vector<1024x128xf32>
    %slice3A_598 = vector.extract_strided_slice %dot_general3A_591 {offsets = [0, 384], sizes = [1024, 128], strides = [1, 1]} : vector<1024x512xf32> to vector<1024x128xf32>
    %tanh3A_599 = math.tanh %slice3A_598 : vector<1024x128xf32>
    %mul3A_600 = arith.constant 5.000000e-01 : f32
    %mul3A_601 = vector.broadcast %mul3A_600 : f32 to vector<1024x128xf32>
    %mul3A_602 = arith.mulf %mul3A_601, %tanh3A_595 : vector<1024x128xf32>
    %add3A_603 = arith.constant 5.000000e-01 : f32
    %add3A_604 = vector.broadcast %add3A_603 : f32 to vector<1024x128xf32>
    %add3A_605 = arith.addf %mul3A_602, %add3A_604 : vector<1024x128xf32>
    %get3A_606 = arith.constant 0 : index
    %get3A_607 = arith.constant 0 : index
    %get3A_608 = vector.load %arg12[%get3A_606, %get3A_607] : memref<1024x128xf32, #tpu.memory_space<vmem>>, vector<1024x128xf32>
    %mul3A_609 = arith.mulf %add3A_605, %get3A_608 : vector<1024x128xf32>
    %mul3A_610 = arith.constant 5.000000e-01 : f32
    %mul3A_611 = vector.broadcast %mul3A_610 : f32 to vector<1024x128xf32>
    %mul3A_612 = arith.mulf %mul3A_611, %tanh3A_593 : vector<1024x128xf32>
    %add3A_613 = arith.constant 5.000000e-01 : f32
    %add3A_614 = vector.broadcast %add3A_613 : f32 to vector<1024x128xf32>
    %add3A_615 = arith.addf %mul3A_612, %add3A_614 : vector<1024x128xf32>
    %mul3A_616 = arith.mulf %add3A_615, %tanh3A_597 : vector<1024x128xf32>
    %add3A_617 = arith.addf %mul3A_609, %mul3A_616 : vector<1024x128xf32>
    %mul3A_618 = arith.constant 5.000000e-01 : f32
    %mul3A_619 = vector.broadcast %mul3A_618 : f32 to vector<1024x128xf32>
    %mul3A_620 = arith.mulf %mul3A_619, %tanh3A_599 : vector<1024x128xf32>
    %add3A_621 = arith.constant 5.000000e-01 : f32
    %add3A_622 = vector.broadcast %add3A_621 : f32 to vector<1024x128xf32>
    %add3A_623 = arith.addf %mul3A_620, %add3A_622 : vector<1024x128xf32>
    %tanh3A_624 = math.tanh %add3A_617 : vector<1024x128xf32>
    %mul3A_625 = arith.mulf %add3A_623, %tanh3A_624 : vector<1024x128xf32>
    %swap3A_626 = arith.constant 0 : index
    %swap3A_627 = arith.constant 0 : index
    %swap3A_628 = vector.load %arg12[%swap3A_626, %swap3A_627] : memref<1024x128xf32, #tpu.memory_space<vmem>>, vector<1024x128xf32>
    tpu.vector_store %arg12[%swap3A_626, %swap3A_627], %add3A_617 {strides = array<i32>} : memref<1024x128xf32, #tpu.memory_space<vmem>>, vector<1024x128xf32>,
    %convert_element_type3A_629 = arith.truncf %mul3A_625 : vector<1024x128xf32> to vector<1024x128xbf16>
    %swap3A_630 = arith.constant 0 : index
    %swap3A_631 = arith.constant 0 : index
    %swap3A_632 = vector.load %arg10[%swap3A_630, %swap3A_631] : memref<1024x256xbf16, #tpu.memory_space<vmem>>, vector<1024x128xbf16>
    tpu.vector_store %arg10[%swap3A_630, %swap3A_631], %convert_element_type3A_629 {strides = array<i32>} : memref<1024x256xbf16, #tpu.memory_space<vmem>>, vector<1024x128xbf16>,
    %get3A_633 = arith.constant 0 : index
    %get3A_634 = arith.constant 0 : index
    %get3A_635 = vector.load %arg5[%get3A_633, %get3A_634] : memref<128x64xbf16, #tpu.memory_space<vmem>>, vector<128x64xbf16>
    %dot_general3A_636 = arith.constant dense<0.000000e+00> : vector<1024x64xf32>
    %dot_general3A_637 = tpu.matmul %convert_element_type3A_629, %get3A_635, %dot_general3A_636 {dimension_numbers = #tpu.dot_dimension_numbers<[1], [0], [0], [1], [0, 0, 1, 1], [], []>, transpose_lhs_hint = false} : vector<1024x128xbf16>, vector<128x64xbf16>, vector<1024x64xf32> -> vector<1024x64xf32>
    %get3A_638 = arith.constant 0 : index
    %get3A_639 = arith.constant 0 : index
    %get3A_640 = vector.load %arg7[%get3A_638, %get3A_639] : memref<1x64xf32, #tpu.memory_space<vmem>>, vector<1x64xf32>
    %add3A_641 = vector.broadcast %get3A_640 : vector<1x64xf32> to vector<1024x64xf32>
    %add3A_642 = arith.addf %dot_general3A_637, %add3A_641 : vector<1024x64xf32>
    %convert_element_type3A_643 = arith.truncf %add3A_642 : vector<1024x64xf32> to vector<1024x64xbf16>
    %swap3A_644 = arith.constant 4 : index
    %swap3A_645 = arith.constant 0 : index
    %swap3A_646 = arith.constant 0 : index
    %swap3A_647 = vector.load %arg8[%swap3A_644, %swap3A_645, %swap3A_646] : memref<8x1024x64xbf16, #tpu.memory_space<vmem>>, vector<1x1024x64xbf16>
    %swap3A_648 = vector.shape_cast %swap3A_647 : vector<1x1024x64xbf16> to vector<1024x64xbf16>
    %swap3A_649 = vector.shape_cast %convert_element_type3A_643 : vector<1024x64xbf16> to vector<1x1024x64xbf16>
    tpu.vector_store %arg8[%swap3A_644, %swap3A_645, %swap3A_646], %swap3A_649 {strides = array<i32>} : memref<8x1024x64xbf16, #tpu.memory_space<vmem>>, vector<1x1024x64xbf16>,
    %get3A_650 = arith.constant 3 : index
    %get3A_651 = arith.constant 0 : index
    %get3A_652 = arith.constant 0 : index
    %get3A_653 = vector.load %arg2[%get3A_650, %get3A_651, %get3A_652] : memref<8x1024x64xf32, #tpu.memory_space<vmem>>, vector<1x1024x64xf32>
    %get3A_654 = vector.shape_cast %get3A_653 : vector<1x1024x64xf32> to vector<1024x64xf32>
    %convert_element_type3A_655 = arith.truncf %get3A_654 : vector<1024x64xf32> to vector<1024x64xbf16>
    %swap3A_656 = arith.constant 0 : index
    %swap3A_657 = arith.constant 128 : index
    %swap3A_658 = vector.load %arg11[%swap3A_656, %swap3A_657] : memref<1024x256xbf16, #tpu.memory_space<vmem>>, vector<1024x64xbf16>
    tpu.vector_store %arg11[%swap3A_656, %swap3A_657], %convert_element_type3A_655 {strides = array<i32>} : memref<1024x256xbf16, #tpu.memory_space<vmem>>, vector<1024x64xbf16>,
    %get3A_659 = arith.constant 0 : index
    %get3A_660 = arith.constant 0 : index
    %get3A_661 = vector.load %arg11[%get3A_659, %get3A_660] : memref<1024x256xbf16, #tpu.memory_space<vmem>>, vector<1024x256xbf16>
    %get3A_662 = arith.constant 0 : index
    %get3A_663 = arith.constant 0 : index
    %get3A_664 = vector.load %arg4[%get3A_662, %get3A_663] : memref<256x512xbf16, #tpu.memory_space<vmem>>, vector<256x512xbf16>
    %dot_general3A_665 = arith.constant dense<0.000000e+00> : vector<1024x512xf32>
    %dot_general3A_666 = tpu.matmul %get3A_661, %get3A_664, %dot_general3A_665 {dimension_numbers = #tpu.dot_dimension_numbers<[1], [0], [0], [1], [0, 0, 1, 1], [], []>, transpose_lhs_hint = false} : vector<1024x256xbf16>, vector<256x512xbf16>, vector<1024x512xf32> -> vector<1024x512xf32>
    %slice3A_667 = vector.extract_strided_slice %dot_general3A_666 {offsets = [0, 0], sizes = [1024, 128], strides = [1, 1]} : vector<1024x512xf32> to vector<1024x128xf32>
    %tanh3A_668 = math.tanh %slice3A_667 : vector<1024x128xf32>
    %slice3A_669 = vector.extract_strided_slice %dot_general3A_666 {offsets = [0, 128], sizes = [1024, 128], strides = [1, 1]} : vector<1024x512xf32> to vector<1024x128xf32>
    %tanh3A_670 = math.tanh %slice3A_669 : vector<1024x128xf32>
    %slice3A_671 = vector.extract_strided_slice %dot_general3A_666 {offsets = [0, 256], sizes = [1024, 128], strides = [1, 1]} : vector<1024x512xf32> to vector<1024x128xf32>
    %tanh3A_672 = math.tanh %slice3A_671 : vector<1024x128xf32>
    %slice3A_673 = vector.extract_strided_slice %dot_general3A_666 {offsets = [0, 384], sizes = [1024, 128], strides = [1, 1]} : vector<1024x512xf32> to vector<1024x128xf32>
    %tanh3A_674 = math.tanh %slice3A_673 : vector<1024x128xf32>
    %mul3A_675 = arith.constant 5.000000e-01 : f32
    %mul3A_676 = vector.broadcast %mul3A_675 : f32 to vector<1024x128xf32>
    %mul3A_677 = arith.mulf %mul3A_676, %tanh3A_670 : vector<1024x128xf32>
    %add3A_678 = arith.constant 5.000000e-01 : f32
    %add3A_679 = vector.broadcast %add3A_678 : f32 to vector<1024x128xf32>
    %add3A_680 = arith.addf %mul3A_677, %add3A_679 : vector<1024x128xf32>
    %get3A_681 = arith.constant 0 : index
    %get3A_682 = arith.constant 0 : index
    %get3A_683 = vector.load %arg13[%get3A_681, %get3A_682] : memref<1024x128xf32, #tpu.memory_space<vmem>>, vector<1024x128xf32>
    %mul3A_684 = arith.mulf %add3A_680, %get3A_683 : vector<1024x128xf32>
    %mul3A_685 = arith.constant 5.000000e-01 : f32
    %mul3A_686 = vector.broadcast %mul3A_685 : f32 to vector<1024x128xf32>
    %mul3A_687 = arith.mulf %mul3A_686, %tanh3A_668 : vector<1024x128xf32>
    %add3A_688 = arith.constant 5.000000e-01 : f32
    %add3A_689 = vector.broadcast %add3A_688 : f32 to vector<1024x128xf32>
    %add3A_690 = arith.addf %mul3A_687, %add3A_689 : vector<1024x128xf32>
    %mul3A_691 = arith.mulf %add3A_690, %tanh3A_672 : vector<1024x128xf32>
    %add3A_692 = arith.addf %mul3A_684, %mul3A_691 : vector<1024x128xf32>
    %mul3A_693 = arith.constant 5.000000e-01 : f32
    %mul3A_694 = vector.broadcast %mul3A_693 : f32 to vector<1024x128xf32>
    %mul3A_695 = arith.mulf %mul3A_694, %tanh3A_674 : vector<1024x128xf32>
    %add3A_696 = arith.constant 5.000000e-01 : f32
    %add3A_697 = vector.broadcast %add3A_696 : f32 to vector<1024x128xf32>
    %add3A_698 = arith.addf %mul3A_695, %add3A_697 : vector<1024x128xf32>
    %tanh3A_699 = math.tanh %add3A_692 : vector<1024x128xf32>
    %mul3A_700 = arith.mulf %add3A_698, %tanh3A_699 : vector<1024x128xf32>
    %swap3A_701 = arith.constant 0 : index
    %swap3A_702 = arith.constant 0 : index
    %swap3A_703 = vector.load %arg13[%swap3A_701, %swap3A_702] : memref<1024x128xf32, #tpu.memory_space<vmem>>, vector<1024x128xf32>
    tpu.vector_store %arg13[%swap3A_701, %swap3A_702], %add3A_692 {strides = array<i32>} : memref<1024x128xf32, #tpu.memory_space<vmem>>, vector<1024x128xf32>,
    %convert_element_type3A_704 = arith.truncf %mul3A_700 : vector<1024x128xf32> to vector<1024x128xbf16>
    %swap3A_705 = arith.constant 0 : index
    %swap3A_706 = arith.constant 0 : index
    %swap3A_707 = vector.load %arg11[%swap3A_705, %swap3A_706] : memref<1024x256xbf16, #tpu.memory_space<vmem>>, vector<1024x128xbf16>
    tpu.vector_store %arg11[%swap3A_705, %swap3A_706], %convert_element_type3A_704 {strides = array<i32>} : memref<1024x256xbf16, #tpu.memory_space<vmem>>, vector<1024x128xbf16>,
    %get3A_708 = arith.constant 0 : index
    %get3A_709 = arith.constant 0 : index
    %get3A_710 = vector.load %arg6[%get3A_708, %get3A_709] : memref<128x64xbf16, #tpu.memory_space<vmem>>, vector<128x64xbf16>
    %dot_general3A_711 = arith.constant dense<0.000000e+00> : vector<1024x64xf32>
    %dot_general3A_712 = tpu.matmul %convert_element_type3A_704, %get3A_710, %dot_general3A_711 {dimension_numbers = #tpu.dot_dimension_numbers<[1], [0], [0], [1], [0, 0, 1, 1], [], []>, transpose_lhs_hint = false} : vector<1024x128xbf16>, vector<128x64xbf16>, vector<1024x64xf32> -> vector<1024x64xf32>
    %convert_element_type3A_713 = arith.truncf %dot_general3A_712 : vector<1024x64xf32> to vector<1024x64xbf16>
    %swap3A_714 = arith.constant 3 : index
    %swap3A_715 = arith.constant 0 : index
    %swap3A_716 = arith.constant 0 : index
    %swap3A_717 = vector.load %arg9[%swap3A_714, %swap3A_715, %swap3A_716] : memref<8x1024x64xbf16, #tpu.memory_space<vmem>>, vector<1x1024x64xbf16>
    %swap3A_718 = vector.shape_cast %swap3A_717 : vector<1x1024x64xbf16> to vector<1024x64xbf16>
    %swap3A_719 = vector.shape_cast %convert_element_type3A_713 : vector<1024x64xbf16> to vector<1x1024x64xbf16>
    tpu.vector_store %arg9[%swap3A_714, %swap3A_715, %swap3A_716], %swap3A_719 {strides = array<i32>} : memref<8x1024x64xbf16, #tpu.memory_space<vmem>>, vector<1x1024x64xbf16>,
    %get3A_720 = arith.constant 5 : index
    %get3A_721 = arith.constant 0 : index
    %get3A_722 = arith.constant 0 : index
    %get3A_723 = vector.load %arg1[%get3A_720, %get3A_721, %get3A_722] : memref<8x1024x64xf32, #tpu.memory_space<vmem>>, vector<1x1024x64xf32>
    %get3A_724 = vector.shape_cast %get3A_723 : vector<1x1024x64xf32> to vector<1024x64xf32>
    %convert_element_type3A_725 = arith.truncf %get3A_724 : vector<1024x64xf32> to vector<1024x64xbf16>
    %swap3A_726 = arith.constant 0 : index
    %swap3A_727 = arith.constant 128 : index
    %swap3A_728 = vector.load %arg10[%swap3A_726, %swap3A_727] : memref<1024x256xbf16, #tpu.memory_space<vmem>>, vector<1024x64xbf16>
    tpu.vector_store %arg10[%swap3A_726, %swap3A_727], %convert_element_type3A_725 {strides = array<i32>} : memref<1024x256xbf16, #tpu.memory_space<vmem>>, vector<1024x64xbf16>,
    %get3A_729 = arith.constant 0 : index
    %get3A_730 = arith.constant 0 : index
    %get3A_731 = vector.load %arg10[%get3A_729, %get3A_730] : memref<1024x256xbf16, #tpu.memory_space<vmem>>, vector<1024x256xbf16>
    %get3A_732 = arith.constant 0 : index
    %get3A_733 = arith.constant 0 : index
    %get3A_734 = vector.load %arg3[%get3A_732, %get3A_733] : memref<256x512xbf16, #tpu.memory_space<vmem>>, vector<256x512xbf16>
    %dot_general3A_735 = arith.constant dense<0.000000e+00> : vector<1024x512xf32>
    %dot_general3A_736 = tpu.matmul %get3A_731, %get3A_734, %dot_general3A_735 {dimension_numbers = #tpu.dot_dimension_numbers<[1], [0], [0], [1], [0, 0, 1, 1], [], []>, transpose_lhs_hint = false} : vector<1024x256xbf16>, vector<256x512xbf16>, vector<1024x512xf32> -> vector<1024x512xf32>
    %slice3A_737 = vector.extract_strided_slice %dot_general3A_736 {offsets = [0, 0], sizes = [1024, 128], strides = [1, 1]} : vector<1024x512xf32> to vector<1024x128xf32>
    %tanh3A_738 = math.tanh %slice3A_737 : vector<1024x128xf32>
    %slice3A_739 = vector.extract_strided_slice %dot_general3A_736 {offsets = [0, 128], sizes = [1024, 128], strides = [1, 1]} : vector<1024x512xf32> to vector<1024x128xf32>
    %tanh3A_740 = math.tanh %slice3A_739 : vector<1024x128xf32>
    %slice3A_741 = vector.extract_strided_slice %dot_general3A_736 {offsets = [0, 256], sizes = [1024, 128], strides = [1, 1]} : vector<1024x512xf32> to vector<1024x128xf32>
    %tanh3A_742 = math.tanh %slice3A_741 : vector<1024x128xf32>
    %slice3A_743 = vector.extract_strided_slice %dot_general3A_736 {offsets = [0, 384], sizes = [1024, 128], strides = [1, 1]} : vector<1024x512xf32> to vector<1024x128xf32>
    %tanh3A_744 = math.tanh %slice3A_743 : vector<1024x128xf32>
    %mul3A_745 = arith.constant 5.000000e-01 : f32
    %mul3A_746 = vector.broadcast %mul3A_745 : f32 to vector<1024x128xf32>
    %mul3A_747 = arith.mulf %mul3A_746, %tanh3A_740 : vector<1024x128xf32>
    %add3A_748 = arith.constant 5.000000e-01 : f32
    %add3A_749 = vector.broadcast %add3A_748 : f32 to vector<1024x128xf32>
    %add3A_750 = arith.addf %mul3A_747, %add3A_749 : vector<1024x128xf32>
    %get3A_751 = arith.constant 0 : index
    %get3A_752 = arith.constant 0 : index
    %get3A_753 = vector.load %arg12[%get3A_751, %get3A_752] : memref<1024x128xf32, #tpu.memory_space<vmem>>, vector<1024x128xf32>
    %mul3A_754 = arith.mulf %add3A_750, %get3A_753 : vector<1024x128xf32>
    %mul3A_755 = arith.constant 5.000000e-01 : f32
    %mul3A_756 = vector.broadcast %mul3A_755 : f32 to vector<1024x128xf32>
    %mul3A_757 = arith.mulf %mul3A_756, %tanh3A_738 : vector<1024x128xf32>
    %add3A_758 = arith.constant 5.000000e-01 : f32
    %add3A_759 = vector.broadcast %add3A_758 : f32 to vector<1024x128xf32>
    %add3A_760 = arith.addf %mul3A_757, %add3A_759 : vector<1024x128xf32>
    %mul3A_761 = arith.mulf %add3A_760, %tanh3A_742 : vector<1024x128xf32>
    %add3A_762 = arith.addf %mul3A_754, %mul3A_761 : vector<1024x128xf32>
    %mul3A_763 = arith.constant 5.000000e-01 : f32
    %mul3A_764 = vector.broadcast %mul3A_763 : f32 to vector<1024x128xf32>
    %mul3A_765 = arith.mulf %mul3A_764, %tanh3A_744 : vector<1024x128xf32>
    %add3A_766 = arith.constant 5.000000e-01 : f32
    %add3A_767 = vector.broadcast %add3A_766 : f32 to vector<1024x128xf32>
    %add3A_768 = arith.addf %mul3A_765, %add3A_767 : vector<1024x128xf32>
    %tanh3A_769 = math.tanh %add3A_762 : vector<1024x128xf32>
    %mul3A_770 = arith.mulf %add3A_768, %tanh3A_769 : vector<1024x128xf32>
    %swap3A_771 = arith.constant 0 : index
    %swap3A_772 = arith.constant 0 : index
    %swap3A_773 = vector.load %arg12[%swap3A_771, %swap3A_772] : memref<1024x128xf32, #tpu.memory_space<vmem>>, vector<1024x128xf32>
    tpu.vector_store %arg12[%swap3A_771, %swap3A_772], %add3A_762 {strides = array<i32>} : memref<1024x128xf32, #tpu.memory_space<vmem>>, vector<1024x128xf32>,
    %convert_element_type3A_774 = arith.truncf %mul3A_770 : vector<1024x128xf32> to vector<1024x128xbf16>
    %swap3A_775 = arith.constant 0 : index
    %swap3A_776 = arith.constant 0 : index
    %swap3A_777 = vector.load %arg10[%swap3A_775, %swap3A_776] : memref<1024x256xbf16, #tpu.memory_space<vmem>>, vector<1024x128xbf16>
    tpu.vector_store %arg10[%swap3A_775, %swap3A_776], %convert_element_type3A_774 {strides = array<i32>} : memref<1024x256xbf16, #tpu.memory_space<vmem>>, vector<1024x128xbf16>,
    %get3A_778 = arith.constant 0 : index
    %get3A_779 = arith.constant 0 : index
    %get3A_780 = vector.load %arg5[%get3A_778, %get3A_779] : memref<128x64xbf16, #tpu.memory_space<vmem>>, vector<128x64xbf16>
    %dot_general3A_781 = arith.constant dense<0.000000e+00> : vector<1024x64xf32>
    %dot_general3A_782 = tpu.matmul %convert_element_type3A_774, %get3A_780, %dot_general3A_781 {dimension_numbers = #tpu.dot_dimension_numbers<[1], [0], [0], [1], [0, 0, 1, 1], [], []>, transpose_lhs_hint = false} : vector<1024x128xbf16>, vector<128x64xbf16>, vector<1024x64xf32> -> vector<1024x64xf32>
    %get3A_783 = arith.constant 0 : index
    %get3A_784 = arith.constant 0 : index
    %get3A_785 = vector.load %arg7[%get3A_783, %get3A_784] : memref<1x64xf32, #tpu.memory_space<vmem>>, vector<1x64xf32>
    %add3A_786 = vector.broadcast %get3A_785 : vector<1x64xf32> to vector<1024x64xf32>
    %add3A_787 = arith.addf %dot_general3A_782, %add3A_786 : vector<1024x64xf32>
    %convert_element_type3A_788 = arith.truncf %add3A_787 : vector<1024x64xf32> to vector<1024x64xbf16>
    %swap3A_789 = arith.constant 5 : index
    %swap3A_790 = arith.constant 0 : index
    %swap3A_791 = arith.constant 0 : index
    %swap3A_792 = vector.load %arg8[%swap3A_789, %swap3A_790, %swap3A_791] : memref<8x1024x64xbf16, #tpu.memory_space<vmem>>, vector<1x1024x64xbf16>
    %swap3A_793 = vector.shape_cast %swap3A_792 : vector<1x1024x64xbf16> to vector<1024x64xbf16>
    %swap3A_794 = vector.shape_cast %convert_element_type3A_788 : vector<1024x64xbf16> to vector<1x1024x64xbf16>
    tpu.vector_store %arg8[%swap3A_789, %swap3A_790, %swap3A_791], %swap3A_794 {strides = array<i32>} : memref<8x1024x64xbf16, #tpu.memory_space<vmem>>, vector<1x1024x64xbf16>,
    %get3A_795 = arith.constant 2 : index
    %get3A_796 = arith.constant 0 : index
    %get3A_797 = arith.constant 0 : index
    %get3A_798 = vector.load %arg2[%get3A_795, %get3A_796, %get3A_797] : memref<8x1024x64xf32, #tpu.memory_space<vmem>>, vector<1x1024x64xf32>
    %get3A_799 = vector.shape_cast %get3A_798 : vector<1x1024x64xf32> to vector<1024x64xf32>
    %convert_element_type3A_800 = arith.truncf %get3A_799 : vector<1024x64xf32> to vector<1024x64xbf16>
    %swap3A_801 = arith.constant 0 : index
    %swap3A_802 = arith.constant 128 : index
    %swap3A_803 = vector.load %arg11[%swap3A_801, %swap3A_802] : memref<1024x256xbf16, #tpu.memory_space<vmem>>, vector<1024x64xbf16>
    tpu.vector_store %arg11[%swap3A_801, %swap3A_802], %convert_element_type3A_800 {strides = array<i32>} : memref<1024x256xbf16, #tpu.memory_space<vmem>>, vector<1024x64xbf16>,
    %get3A_804 = arith.constant 0 : index
    %get3A_805 = arith.constant 0 : index
    %get3A_806 = vector.load %arg11[%get3A_804, %get3A_805] : memref<1024x256xbf16, #tpu.memory_space<vmem>>, vector<1024x256xbf16>
    %get3A_807 = arith.constant 0 : index
    %get3A_808 = arith.constant 0 : index
    %get3A_809 = vector.load %arg4[%get3A_807, %get3A_808] : memref<256x512xbf16, #tpu.memory_space<vmem>>, vector<256x512xbf16>
    %dot_general3A_810 = arith.constant dense<0.000000e+00> : vector<1024x512xf32>
    %dot_general3A_811 = tpu.matmul %get3A_806, %get3A_809, %dot_general3A_810 {dimension_numbers = #tpu.dot_dimension_numbers<[1], [0], [0], [1], [0, 0, 1, 1], [], []>, transpose_lhs_hint = false} : vector<1024x256xbf16>, vector<256x512xbf16>, vector<1024x512xf32> -> vector<1024x512xf32>
    %slice3A_812 = vector.extract_strided_slice %dot_general3A_811 {offsets = [0, 0], sizes = [1024, 128], strides = [1, 1]} : vector<1024x512xf32> to vector<1024x128xf32>
    %tanh3A_813 = math.tanh %slice3A_812 : vector<1024x128xf32>
    %slice3A_814 = vector.extract_strided_slice %dot_general3A_811 {offsets = [0, 128], sizes = [1024, 128], strides = [1, 1]} : vector<1024x512xf32> to vector<1024x128xf32>
    %tanh3A_815 = math.tanh %slice3A_814 : vector<1024x128xf32>
    %slice3A_816 = vector.extract_strided_slice %dot_general3A_811 {offsets = [0, 256], sizes = [1024, 128], strides = [1, 1]} : vector<1024x512xf32> to vector<1024x128xf32>
    %tanh3A_817 = math.tanh %slice3A_816 : vector<1024x128xf32>
    %slice3A_818 = vector.extract_strided_slice %dot_general3A_811 {offsets = [0, 384], sizes = [1024, 128], strides = [1, 1]} : vector<1024x512xf32> to vector<1024x128xf32>
    %tanh3A_819 = math.tanh %slice3A_818 : vector<1024x128xf32>
    %mul3A_820 = arith.constant 5.000000e-01 : f32
    %mul3A_821 = vector.broadcast %mul3A_820 : f32 to vector<1024x128xf32>
    %mul3A_822 = arith.mulf %mul3A_821, %tanh3A_815 : vector<1024x128xf32>
    %add3A_823 = arith.constant 5.000000e-01 : f32
    %add3A_824 = vector.broadcast %add3A_823 : f32 to vector<1024x128xf32>
    %add3A_825 = arith.addf %mul3A_822, %add3A_824 : vector<1024x128xf32>
    %get3A_826 = arith.constant 0 : index
    %get3A_827 = arith.constant 0 : index
    %get3A_828 = vector.load %arg13[%get3A_826, %get3A_827] : memref<1024x128xf32, #tpu.memory_space<vmem>>, vector<1024x128xf32>
    %mul3A_829 = arith.mulf %add3A_825, %get3A_828 : vector<1024x128xf32>
    %mul3A_830 = arith.constant 5.000000e-01 : f32
    %mul3A_831 = vector.broadcast %mul3A_830 : f32 to vector<1024x128xf32>
    %mul3A_832 = arith.mulf %mul3A_831, %tanh3A_813 : vector<1024x128xf32>
    %add3A_833 = arith.constant 5.000000e-01 : f32
    %add3A_834 = vector.broadcast %add3A_833 : f32 to vector<1024x128xf32>
    %add3A_835 = arith.addf %mul3A_832, %add3A_834 : vector<1024x128xf32>
    %mul3A_836 = arith.mulf %add3A_835, %tanh3A_817 : vector<1024x128xf32>
    %add3A_837 = arith.addf %mul3A_829, %mul3A_836 : vector<1024x128xf32>
    %mul3A_838 = arith.constant 5.000000e-01 : f32
    %mul3A_839 = vector.broadcast %mul3A_838 : f32 to vector<1024x128xf32>
    %mul3A_840 = arith.mulf %mul3A_839, %tanh3A_819 : vector<1024x128xf32>
    %add3A_841 = arith.constant 5.000000e-01 : f32
    %add3A_842 = vector.broadcast %add3A_841 : f32 to vector<1024x128xf32>
    %add3A_843 = arith.addf %mul3A_840, %add3A_842 : vector<1024x128xf32>
    %tanh3A_844 = math.tanh %add3A_837 : vector<1024x128xf32>
    %mul3A_845 = arith.mulf %add3A_843, %tanh3A_844 : vector<1024x128xf32>
    %swap3A_846 = arith.constant 0 : index
    %swap3A_847 = arith.constant 0 : index
    %swap3A_848 = vector.load %arg13[%swap3A_846, %swap3A_847] : memref<1024x128xf32, #tpu.memory_space<vmem>>, vector<1024x128xf32>
    tpu.vector_store %arg13[%swap3A_846, %swap3A_847], %add3A_837 {strides = array<i32>} : memref<1024x128xf32, #tpu.memory_space<vmem>>, vector<1024x128xf32>,
    %convert_element_type3A_849 = arith.truncf %mul3A_845 : vector<1024x128xf32> to vector<1024x128xbf16>
    %swap3A_850 = arith.constant 0 : index
    %swap3A_851 = arith.constant 0 : index
    %swap3A_852 = vector.load %arg11[%swap3A_850, %swap3A_851] : memref<1024x256xbf16, #tpu.memory_space<vmem>>, vector<1024x128xbf16>
    tpu.vector_store %arg11[%swap3A_850, %swap3A_851], %convert_element_type3A_849 {strides = array<i32>} : memref<1024x256xbf16, #tpu.memory_space<vmem>>, vector<1024x128xbf16>,
    %get3A_853 = arith.constant 0 : index
    %get3A_854 = arith.constant 0 : index
    %get3A_855 = vector.load %arg6[%get3A_853, %get3A_854] : memref<128x64xbf16, #tpu.memory_space<vmem>>, vector<128x64xbf16>
    %dot_general3A_856 = arith.constant dense<0.000000e+00> : vector<1024x64xf32>
    %dot_general3A_857 = tpu.matmul %convert_element_type3A_849, %get3A_855, %dot_general3A_856 {dimension_numbers = #tpu.dot_dimension_numbers<[1], [0], [0], [1], [0, 0, 1, 1], [], []>, transpose_lhs_hint = false} : vector<1024x128xbf16>, vector<128x64xbf16>, vector<1024x64xf32> -> vector<1024x64xf32>
    %convert_element_type3A_858 = arith.truncf %dot_general3A_857 : vector<1024x64xf32> to vector<1024x64xbf16>
    %swap3A_859 = arith.constant 2 : index
    %swap3A_860 = arith.constant 0 : index
    %swap3A_861 = arith.constant 0 : index
    %swap3A_862 = vector.load %arg9[%swap3A_859, %swap3A_860, %swap3A_861] : memref<8x1024x64xbf16, #tpu.memory_space<vmem>>, vector<1x1024x64xbf16>
    %swap3A_863 = vector.shape_cast %swap3A_862 : vector<1x1024x64xbf16> to vector<1024x64xbf16>
    %swap3A_864 = vector.shape_cast %convert_element_type3A_858 : vector<1024x64xbf16> to vector<1x1024x64xbf16>
    tpu.vector_store %arg9[%swap3A_859, %swap3A_860, %swap3A_861], %swap3A_864 {strides = array<i32>} : memref<8x1024x64xbf16, #tpu.memory_space<vmem>>, vector<1x1024x64xbf16>,
    %get3A_865 = arith.constant 6 : index
    %get3A_866 = arith.constant 0 : index
    %get3A_867 = arith.constant 0 : index
    %get3A_868 = vector.load %arg1[%get3A_865, %get3A_866, %get3A_867] : memref<8x1024x64xf32, #tpu.memory_space<vmem>>, vector<1x1024x64xf32>
    %get3A_869 = vector.shape_cast %get3A_868 : vector<1x1024x64xf32> to vector<1024x64xf32>
    %convert_element_type3A_870 = arith.truncf %get3A_869 : vector<1024x64xf32> to vector<1024x64xbf16>
    %swap3A_871 = arith.constant 0 : index
    %swap3A_872 = arith.constant 128 : index
    %swap3A_873 = vector.load %arg10[%swap3A_871, %swap3A_872] : memref<1024x256xbf16, #tpu.memory_space<vmem>>, vector<1024x64xbf16>
    tpu.vector_store %arg10[%swap3A_871, %swap3A_872], %convert_element_type3A_870 {strides = array<i32>} : memref<1024x256xbf16, #tpu.memory_space<vmem>>, vector<1024x64xbf16>,
    %get3A_874 = arith.constant 0 : index
    %get3A_875 = arith.constant 0 : index
    %get3A_876 = vector.load %arg10[%get3A_874, %get3A_875] : memref<1024x256xbf16, #tpu.memory_space<vmem>>, vector<1024x256xbf16>
    %get3A_877 = arith.constant 0 : index
    %get3A_878 = arith.constant 0 : index
    %get3A_879 = vector.load %arg3[%get3A_877, %get3A_878] : memref<256x512xbf16, #tpu.memory_space<vmem>>, vector<256x512xbf16>
    %dot_general3A_880 = arith.constant dense<0.000000e+00> : vector<1024x512xf32>
    %dot_general3A_881 = tpu.matmul %get3A_876, %get3A_879, %dot_general3A_880 {dimension_numbers = #tpu.dot_dimension_numbers<[1], [0], [0], [1], [0, 0, 1, 1], [], []>, transpose_lhs_hint = false} : vector<1024x256xbf16>, vector<256x512xbf16>, vector<1024x512xf32> -> vector<1024x512xf32>
    %slice3A_882 = vector.extract_strided_slice %dot_general3A_881 {offsets = [0, 0], sizes = [1024, 128], strides = [1, 1]} : vector<1024x512xf32> to vector<1024x128xf32>
    %tanh3A_883 = math.tanh %slice3A_882 : vector<1024x128xf32>
    %slice3A_884 = vector.extract_strided_slice %dot_general3A_881 {offsets = [0, 128], sizes = [1024, 128], strides = [1, 1]} : vector<1024x512xf32> to vector<1024x128xf32>
    %tanh3A_885 = math.tanh %slice3A_884 : vector<1024x128xf32>
    %slice3A_886 = vector.extract_strided_slice %dot_general3A_881 {offsets = [0, 256], sizes = [1024, 128], strides = [1, 1]} : vector<1024x512xf32> to vector<1024x128xf32>
    %tanh3A_887 = math.tanh %slice3A_886 : vector<1024x128xf32>
    %slice3A_888 = vector.extract_strided_slice %dot_general3A_881 {offsets = [0, 384], sizes = [1024, 128], strides = [1, 1]} : vector<1024x512xf32> to vector<1024x128xf32>
    %tanh3A_889 = math.tanh %slice3A_888 : vector<1024x128xf32>
    %mul3A_890 = arith.constant 5.000000e-01 : f32
    %mul3A_891 = vector.broadcast %mul3A_890 : f32 to vector<1024x128xf32>
    %mul3A_892 = arith.mulf %mul3A_891, %tanh3A_885 : vector<1024x128xf32>
    %add3A_893 = arith.constant 5.000000e-01 : f32
    %add3A_894 = vector.broadcast %add3A_893 : f32 to vector<1024x128xf32>
    %add3A_895 = arith.addf %mul3A_892, %add3A_894 : vector<1024x128xf32>
    %get3A_896 = arith.constant 0 : index
    %get3A_897 = arith.constant 0 : index
    %get3A_898 = vector.load %arg12[%get3A_896, %get3A_897] : memref<1024x128xf32, #tpu.memory_space<vmem>>, vector<1024x128xf32>
    %mul3A_899 = arith.mulf %add3A_895, %get3A_898 : vector<1024x128xf32>
    %mul3A_900 = arith.constant 5.000000e-01 : f32
    %mul3A_901 = vector.broadcast %mul3A_900 : f32 to vector<1024x128xf32>
    %mul3A_902 = arith.mulf %mul3A_901, %tanh3A_883 : vector<1024x128xf32>
    %add3A_903 = arith.constant 5.000000e-01 : f32
    %add3A_904 = vector.broadcast %add3A_903 : f32 to vector<1024x128xf32>
    %add3A_905 = arith.addf %mul3A_902, %add3A_904 : vector<1024x128xf32>
    %mul3A_906 = arith.mulf %add3A_905, %tanh3A_887 : vector<1024x128xf32>
    %add3A_907 = arith.addf %mul3A_899, %mul3A_906 : vector<1024x128xf32>
    %mul3A_908 = arith.constant 5.000000e-01 : f32
    %mul3A_909 = vector.broadcast %mul3A_908 : f32 to vector<1024x128xf32>
    %mul3A_910 = arith.mulf %mul3A_909, %tanh3A_889 : vector<1024x128xf32>
    %add3A_911 = arith.constant 5.000000e-01 : f32
    %add3A_912 = vector.broadcast %add3A_911 : f32 to vector<1024x128xf32>
    %add3A_913 = arith.addf %mul3A_910, %add3A_912 : vector<1024x128xf32>
    %tanh3A_914 = math.tanh %add3A_907 : vector<1024x128xf32>
    %mul3A_915 = arith.mulf %add3A_913, %tanh3A_914 : vector<1024x128xf32>
    %swap3A_916 = arith.constant 0 : index
    %swap3A_917 = arith.constant 0 : index
    %swap3A_918 = vector.load %arg12[%swap3A_916, %swap3A_917] : memref<1024x128xf32, #tpu.memory_space<vmem>>, vector<1024x128xf32>
    tpu.vector_store %arg12[%swap3A_916, %swap3A_917], %add3A_907 {strides = array<i32>} : memref<1024x128xf32, #tpu.memory_space<vmem>>, vector<1024x128xf32>,
    %convert_element_type3A_919 = arith.truncf %mul3A_915 : vector<1024x128xf32> to vector<1024x128xbf16>
    %swap3A_920 = arith.constant 0 : index
    %swap3A_921 = arith.constant 0 : index
    %swap3A_922 = vector.load %arg10[%swap3A_920, %swap3A_921] : memref<1024x256xbf16, #tpu.memory_space<vmem>>, vector<1024x128xbf16>
    tpu.vector_store %arg10[%swap3A_920, %swap3A_921], %convert_element_type3A_919 {strides = array<i32>} : memref<1024x256xbf16, #tpu.memory_space<vmem>>, vector<1024x128xbf16>,
    %get3A_923 = arith.constant 0 : index
    %get3A_924 = arith.constant 0 : index
    %get3A_925 = vector.load %arg5[%get3A_923, %get3A_924] : memref<128x64xbf16, #tpu.memory_space<vmem>>, vector<128x64xbf16>
    %dot_general3A_926 = arith.constant dense<0.000000e+00> : vector<1024x64xf32>
    %dot_general3A_927 = tpu.matmul %convert_element_type3A_919, %get3A_925, %dot_general3A_926 {dimension_numbers = #tpu.dot_dimension_numbers<[1], [0], [0], [1], [0, 0, 1, 1], [], []>, transpose_lhs_hint = false} : vector<1024x128xbf16>, vector<128x64xbf16>, vector<1024x64xf32> -> vector<1024x64xf32>
    %get3A_928 = arith.constant 0 : index
    %get3A_929 = arith.constant 0 : index
    %get3A_930 = vector.load %arg7[%get3A_928, %get3A_929] : memref<1x64xf32, #tpu.memory_space<vmem>>, vector<1x64xf32>
    %add3A_931 = vector.broadcast %get3A_930 : vector<1x64xf32> to vector<1024x64xf32>
    %add3A_932 = arith.addf %dot_general3A_927, %add3A_931 : vector<1024x64xf32>
    %convert_element_type3A_933 = arith.truncf %add3A_932 : vector<1024x64xf32> to vector<1024x64xbf16>
    %swap3A_934 = arith.constant 6 : index
    %swap3A_935 = arith.constant 0 : index
    %swap3A_936 = arith.constant 0 : index
    %swap3A_937 = vector.load %arg8[%swap3A_934, %swap3A_935, %swap3A_936] : memref<8x1024x64xbf16, #tpu.memory_space<vmem>>, vector<1x1024x64xbf16>
    %swap3A_938 = vector.shape_cast %swap3A_937 : vector<1x1024x64xbf16> to vector<1024x64xbf16>
    %swap3A_939 = vector.shape_cast %convert_element_type3A_933 : vector<1024x64xbf16> to vector<1x1024x64xbf16>
    tpu.vector_store %arg8[%swap3A_934, %swap3A_935, %swap3A_936], %swap3A_939 {strides = array<i32>} : memref<8x1024x64xbf16, #tpu.memory_space<vmem>>, vector<1x1024x64xbf16>,
    %get3A_940 = arith.constant 1 : index
    %get3A_941 = arith.constant 0 : index
    %get3A_942 = arith.constant 0 : index
    %get3A_943 = vector.load %arg2[%get3A_940, %get3A_941, %get3A_942] : memref<8x1024x64xf32, #tpu.memory_space<vmem>>, vector<1x1024x64xf32>
    %get3A_944 = vector.shape_cast %get3A_943 : vector<1x1024x64xf32> to vector<1024x64xf32>
    %convert_element_type3A_945 = arith.truncf %get3A_944 : vector<1024x64xf32> to vector<1024x64xbf16>
    %swap3A_946 = arith.constant 0 : index
    %swap3A_947 = arith.constant 128 : index
    %swap3A_948 = vector.load %arg11[%swap3A_946, %swap3A_947] : memref<1024x256xbf16, #tpu.memory_space<vmem>>, vector<1024x64xbf16>
    tpu.vector_store %arg11[%swap3A_946, %swap3A_947], %convert_element_type3A_945 {strides = array<i32>} : memref<1024x256xbf16, #tpu.memory_space<vmem>>, vector<1024x64xbf16>,
    %get3A_949 = arith.constant 0 : index
    %get3A_950 = arith.constant 0 : index
    %get3A_951 = vector.load %arg11[%get3A_949, %get3A_950] : memref<1024x256xbf16, #tpu.memory_space<vmem>>, vector<1024x256xbf16>
    %get3A_952 = arith.constant 0 : index
    %get3A_953 = arith.constant 0 : index
    %get3A_954 = vector.load %arg4[%get3A_952, %get3A_953] : memref<256x512xbf16, #tpu.memory_space<vmem>>, vector<256x512xbf16>
    %dot_general3A_955 = arith.constant dense<0.000000e+00> : vector<1024x512xf32>
    %dot_general3A_956 = tpu.matmul %get3A_951, %get3A_954, %dot_general3A_955 {dimension_numbers = #tpu.dot_dimension_numbers<[1], [0], [0], [1], [0, 0, 1, 1], [], []>, transpose_lhs_hint = false} : vector<1024x256xbf16>, vector<256x512xbf16>, vector<1024x512xf32> -> vector<1024x512xf32>
    %slice3A_957 = vector.extract_strided_slice %dot_general3A_956 {offsets = [0, 0], sizes = [1024, 128], strides = [1, 1]} : vector<1024x512xf32> to vector<1024x128xf32>
    %tanh3A_958 = math.tanh %slice3A_957 : vector<1024x128xf32>
    %slice3A_959 = vector.extract_strided_slice %dot_general3A_956 {offsets = [0, 128], sizes = [1024, 128], strides = [1, 1]} : vector<1024x512xf32> to vector<1024x128xf32>
    %tanh3A_960 = math.tanh %slice3A_959 : vector<1024x128xf32>
    %slice3A_961 = vector.extract_strided_slice %dot_general3A_956 {offsets = [0, 256], sizes = [1024, 128], strides = [1, 1]} : vector<1024x512xf32> to vector<1024x128xf32>
    %tanh3A_962 = math.tanh %slice3A_961 : vector<1024x128xf32>
    %slice3A_963 = vector.extract_strided_slice %dot_general3A_956 {offsets = [0, 384], sizes = [1024, 128], strides = [1, 1]} : vector<1024x512xf32> to vector<1024x128xf32>
    %tanh3A_964 = math.tanh %slice3A_963 : vector<1024x128xf32>
    %mul3A_965 = arith.constant 5.000000e-01 : f32
    %mul3A_966 = vector.broadcast %mul3A_965 : f32 to vector<1024x128xf32>
    %mul3A_967 = arith.mulf %mul3A_966, %tanh3A_960 : vector<1024x128xf32>
    %add3A_968 = arith.constant 5.000000e-01 : f32
    %add3A_969 = vector.broadcast %add3A_968 : f32 to vector<1024x128xf32>
    %add3A_970 = arith.addf %mul3A_967, %add3A_969 : vector<1024x128xf32>
    %get3A_971 = arith.constant 0 : index
    %get3A_972 = arith.constant 0 : index
    %get3A_973 = vector.load %arg13[%get3A_971, %get3A_972] : memref<1024x128xf32, #tpu.memory_space<vmem>>, vector<1024x128xf32>
    %mul3A_974 = arith.mulf %add3A_970, %get3A_973 : vector<1024x128xf32>
    %mul3A_975 = arith.constant 5.000000e-01 : f32
    %mul3A_976 = vector.broadcast %mul3A_975 : f32 to vector<1024x128xf32>
    %mul3A_977 = arith.mulf %mul3A_976, %tanh3A_958 : vector<1024x128xf32>
    %add3A_978 = arith.constant 5.000000e-01 : f32
    %add3A_979 = vector.broadcast %add3A_978 : f32 to vector<1024x128xf32>
    %add3A_980 = arith.addf %mul3A_977, %add3A_979 : vector<1024x128xf32>
    %mul3A_981 = arith.mulf %add3A_980, %tanh3A_962 : vector<1024x128xf32>
    %add3A_982 = arith.addf %mul3A_974, %mul3A_981 : vector<1024x128xf32>
    %mul3A_983 = arith.constant 5.000000e-01 : f32
    %mul3A_984 = vector.broadcast %mul3A_983 : f32 to vector<1024x128xf32>
    %mul3A_985 = arith.mulf %mul3A_984, %tanh3A_964 : vector<1024x128xf32>
    %add3A_986 = arith.constant 5.000000e-01 : f32
    %add3A_987 = vector.broadcast %add3A_986 : f32 to vector<1024x128xf32>
    %add3A_988 = arith.addf %mul3A_985, %add3A_987 : vector<1024x128xf32>
    %tanh3A_989 = math.tanh %add3A_982 : vector<1024x128xf32>
    %mul3A_990 = arith.mulf %add3A_988, %tanh3A_989 : vector<1024x128xf32>
    %swap3A_991 = arith.constant 0 : index
    %swap3A_992 = arith.constant 0 : index
    %swap3A_993 = vector.load %arg13[%swap3A_991, %swap3A_992] : memref<1024x128xf32, #tpu.memory_space<vmem>>, vector<1024x128xf32>
    tpu.vector_store %arg13[%swap3A_991, %swap3A_992], %add3A_982 {strides = array<i32>} : memref<1024x128xf32, #tpu.memory_space<vmem>>, vector<1024x128xf32>,
    %convert_element_type3A_994 = arith.truncf %mul3A_990 : vector<1024x128xf32> to vector<1024x128xbf16>
    %swap3A_995 = arith.constant 0 : index
    %swap3A_996 = arith.constant 0 : index
    %swap3A_997 = vector.load %arg11[%swap3A_995, %swap3A_996] : memref<1024x256xbf16, #tpu.memory_space<vmem>>, vector<1024x128xbf16>
    tpu.vector_store %arg11[%swap3A_995, %swap3A_996], %convert_element_type3A_994 {strides = array<i32>} : memref<1024x256xbf16, #tpu.memory_space<vmem>>, vector<1024x128xbf16>,
    %get3A_998 = arith.constant 0 : index
    %get3A_999 = arith.constant 0 : index
    %get3A_1000 = vector.load %arg6[%get3A_998, %get3A_999] : memref<128x64xbf16, #tpu.memory_space<vmem>>, vector<128x64xbf16>
    %dot_general3A_1001 = arith.constant dense<0.000000e+00> : vector<1024x64xf32>
    %dot_general3A_1002 = tpu.matmul %convert_element_type3A_994, %get3A_1000, %dot_general3A_1001 {dimension_numbers = #tpu.dot_dimension_numbers<[1], [0], [0], [1], [0, 0, 1, 1], [], []>, transpose_lhs_hint = false} : vector<1024x128xbf16>, vector<128x64xbf16>, vector<1024x64xf32> -> vector<1024x64xf32>
    %convert_element_type3A_1003 = arith.truncf %dot_general3A_1002 : vector<1024x64xf32> to vector<1024x64xbf16>
    %swap3A_1004 = arith.constant 1 : index
    %swap3A_1005 = arith.constant 0 : index
    %swap3A_1006 = arith.constant 0 : index
    %swap3A_1007 = vector.load %arg9[%swap3A_1004, %swap3A_1005, %swap3A_1006] : memref<8x1024x64xbf16, #tpu.memory_space<vmem>>, vector<1x1024x64xbf16>
    %swap3A_1008 = vector.shape_cast %swap3A_1007 : vector<1x1024x64xbf16> to vector<1024x64xbf16>
    %swap3A_1009 = vector.shape_cast %convert_element_type3A_1003 : vector<1024x64xbf16> to vector<1x1024x64xbf16>
    tpu.vector_store %arg9[%swap3A_1004, %swap3A_1005, %swap3A_1006], %swap3A_1009 {strides = array<i32>} : memref<8x1024x64xbf16, #tpu.memory_space<vmem>>, vector<1x1024x64xbf16>,
    %get3A_1010 = arith.constant 7 : index
    %get3A_1011 = arith.constant 0 : index
    %get3A_1012 = arith.constant 0 : index
    %get3A_1013 = vector.load %arg1[%get3A_1010, %get3A_1011, %get3A_1012] : memref<8x1024x64xf32, #tpu.memory_space<vmem>>, vector<1x1024x64xf32>
    %get3A_1014 = vector.shape_cast %get3A_1013 : vector<1x1024x64xf32> to vector<1024x64xf32>
    %convert_element_type3A_1015 = arith.truncf %get3A_1014 : vector<1024x64xf32> to vector<1024x64xbf16>
    %swap3A_1016 = arith.constant 0 : index
    %swap3A_1017 = arith.constant 128 : index
    %swap3A_1018 = vector.load %arg10[%swap3A_1016, %swap3A_1017] : memref<1024x256xbf16, #tpu.memory_space<vmem>>, vector<1024x64xbf16>
    tpu.vector_store %arg10[%swap3A_1016, %swap3A_1017], %convert_element_type3A_1015 {strides = array<i32>} : memref<1024x256xbf16, #tpu.memory_space<vmem>>, vector<1024x64xbf16>,
    %get3A_1019 = arith.constant 0 : index
    %get3A_1020 = arith.constant 0 : index
    %get3A_1021 = vector.load %arg10[%get3A_1019, %get3A_1020] : memref<1024x256xbf16, #tpu.memory_space<vmem>>, vector<1024x256xbf16>
    %get3A_1022 = arith.constant 0 : index
    %get3A_1023 = arith.constant 0 : index
    %get3A_1024 = vector.load %arg3[%get3A_1022, %get3A_1023] : memref<256x512xbf16, #tpu.memory_space<vmem>>, vector<256x512xbf16>
    %dot_general3A_1025 = arith.constant dense<0.000000e+00> : vector<1024x512xf32>
    %dot_general3A_1026 = tpu.matmul %get3A_1021, %get3A_1024, %dot_general3A_1025 {dimension_numbers = #tpu.dot_dimension_numbers<[1], [0], [0], [1], [0, 0, 1, 1], [], []>, transpose_lhs_hint = false} : vector<1024x256xbf16>, vector<256x512xbf16>, vector<1024x512xf32> -> vector<1024x512xf32>
    %slice3A_1027 = vector.extract_strided_slice %dot_general3A_1026 {offsets = [0, 0], sizes = [1024, 128], strides = [1, 1]} : vector<1024x512xf32> to vector<1024x128xf32>
    %tanh3A_1028 = math.tanh %slice3A_1027 : vector<1024x128xf32>
    %slice3A_1029 = vector.extract_strided_slice %dot_general3A_1026 {offsets = [0, 128], sizes = [1024, 128], strides = [1, 1]} : vector<1024x512xf32> to vector<1024x128xf32>
    %tanh3A_1030 = math.tanh %slice3A_1029 : vector<1024x128xf32>
    %slice3A_1031 = vector.extract_strided_slice %dot_general3A_1026 {offsets = [0, 256], sizes = [1024, 128], strides = [1, 1]} : vector<1024x512xf32> to vector<1024x128xf32>
    %tanh3A_1032 = math.tanh %slice3A_1031 : vector<1024x128xf32>
    %slice3A_1033 = vector.extract_strided_slice %dot_general3A_1026 {offsets = [0, 384], sizes = [1024, 128], strides = [1, 1]} : vector<1024x512xf32> to vector<1024x128xf32>
    %tanh3A_1034 = math.tanh %slice3A_1033 : vector<1024x128xf32>
    %mul3A_1035 = arith.constant 5.000000e-01 : f32
    %mul3A_1036 = vector.broadcast %mul3A_1035 : f32 to vector<1024x128xf32>
    %mul3A_1037 = arith.mulf %mul3A_1036, %tanh3A_1030 : vector<1024x128xf32>
    %add3A_1038 = arith.constant 5.000000e-01 : f32
    %add3A_1039 = vector.broadcast %add3A_1038 : f32 to vector<1024x128xf32>
    %add3A_1040 = arith.addf %mul3A_1037, %add3A_1039 : vector<1024x128xf32>
    %get3A_1041 = arith.constant 0 : index
    %get3A_1042 = arith.constant 0 : index
    %get3A_1043 = vector.load %arg12[%get3A_1041, %get3A_1042] : memref<1024x128xf32, #tpu.memory_space<vmem>>, vector<1024x128xf32>
    %mul3A_1044 = arith.mulf %add3A_1040, %get3A_1043 : vector<1024x128xf32>
    %mul3A_1045 = arith.constant 5.000000e-01 : f32
    %mul3A_1046 = vector.broadcast %mul3A_1045 : f32 to vector<1024x128xf32>
    %mul3A_1047 = arith.mulf %mul3A_1046, %tanh3A_1028 : vector<1024x128xf32>
    %add3A_1048 = arith.constant 5.000000e-01 : f32
    %add3A_1049 = vector.broadcast %add3A_1048 : f32 to vector<1024x128xf32>
    %add3A_1050 = arith.addf %mul3A_1047, %add3A_1049 : vector<1024x128xf32>
    %mul3A_1051 = arith.mulf %add3A_1050, %tanh3A_1032 : vector<1024x128xf32>
    %add3A_1052 = arith.addf %mul3A_1044, %mul3A_1051 : vector<1024x128xf32>
    %mul3A_1053 = arith.constant 5.000000e-01 : f32
    %mul3A_1054 = vector.broadcast %mul3A_1053 : f32 to vector<1024x128xf32>
    %mul3A_1055 = arith.mulf %mul3A_1054, %tanh3A_1034 : vector<1024x128xf32>
    %add3A_1056 = arith.constant 5.000000e-01 : f32
    %add3A_1057 = vector.broadcast %add3A_1056 : f32 to vector<1024x128xf32>
    %add3A_1058 = arith.addf %mul3A_1055, %add3A_1057 : vector<1024x128xf32>
    %tanh3A_1059 = math.tanh %add3A_1052 : vector<1024x128xf32>
    %mul3A_1060 = arith.mulf %add3A_1058, %tanh3A_1059 : vector<1024x128xf32>
    %swap3A_1061 = arith.constant 0 : index
    %swap3A_1062 = arith.constant 0 : index
    %swap3A_1063 = vector.load %arg12[%swap3A_1061, %swap3A_1062] : memref<1024x128xf32, #tpu.memory_space<vmem>>, vector<1024x128xf32>
    tpu.vector_store %arg12[%swap3A_1061, %swap3A_1062], %add3A_1052 {strides = array<i32>} : memref<1024x128xf32, #tpu.memory_space<vmem>>, vector<1024x128xf32>,
    %convert_element_type3A_1064 = arith.truncf %mul3A_1060 : vector<1024x128xf32> to vector<1024x128xbf16>
    %swap3A_1065 = arith.constant 0 : index
    %swap3A_1066 = arith.constant 0 : index
    %swap3A_1067 = vector.load %arg10[%swap3A_1065, %swap3A_1066] : memref<1024x256xbf16, #tpu.memory_space<vmem>>, vector<1024x128xbf16>
    tpu.vector_store %arg10[%swap3A_1065, %swap3A_1066], %convert_element_type3A_1064 {strides = array<i32>} : memref<1024x256xbf16, #tpu.memory_space<vmem>>, vector<1024x128xbf16>,
    %get3A_1068 = arith.constant 0 : index
    %get3A_1069 = arith.constant 0 : index
    %get3A_1070 = vector.load %arg5[%get3A_1068, %get3A_1069] : memref<128x64xbf16, #tpu.memory_space<vmem>>, vector<128x64xbf16>
    %dot_general3A_1071 = arith.constant dense<0.000000e+00> : vector<1024x64xf32>
    %dot_general3A_1072 = tpu.matmul %convert_element_type3A_1064, %get3A_1070, %dot_general3A_1071 {dimension_numbers = #tpu.dot_dimension_numbers<[1], [0], [0], [1], [0, 0, 1, 1], [], []>, transpose_lhs_hint = false} : vector<1024x128xbf16>, vector<128x64xbf16>, vector<1024x64xf32> -> vector<1024x64xf32>
    %get3A_1073 = arith.constant 0 : index
    %get3A_1074 = arith.constant 0 : index
    %get3A_1075 = vector.load %arg7[%get3A_1073, %get3A_1074] : memref<1x64xf32, #tpu.memory_space<vmem>>, vector<1x64xf32>
    %add3A_1076 = vector.broadcast %get3A_1075 : vector<1x64xf32> to vector<1024x64xf32>
    %add3A_1077 = arith.addf %dot_general3A_1072, %add3A_1076 : vector<1024x64xf32>
    %convert_element_type3A_1078 = arith.truncf %add3A_1077 : vector<1024x64xf32> to vector<1024x64xbf16>
    %swap3A_1079 = arith.constant 7 : index
    %swap3A_1080 = arith.constant 0 : index
    %swap3A_1081 = arith.constant 0 : index
    %swap3A_1082 = vector.load %arg8[%swap3A_1079, %swap3A_1080, %swap3A_1081] : memref<8x1024x64xbf16, #tpu.memory_space<vmem>>, vector<1x1024x64xbf16>
    %swap3A_1083 = vector.shape_cast %swap3A_1082 : vector<1x1024x64xbf16> to vector<1024x64xbf16>
    %swap3A_1084 = vector.shape_cast %convert_element_type3A_1078 : vector<1024x64xbf16> to vector<1x1024x64xbf16>
    tpu.vector_store %arg8[%swap3A_1079, %swap3A_1080, %swap3A_1081], %swap3A_1084 {strides = array<i32>} : memref<8x1024x64xbf16, #tpu.memory_space<vmem>>, vector<1x1024x64xbf16>,
    %get3A_1085 = arith.constant 0 : index
    %get3A_1086 = arith.constant 0 : index
    %get3A_1087 = arith.constant 0 : index
    %get3A_1088 = vector.load %arg2[%get3A_1085, %get3A_1086, %get3A_1087] : memref<8x1024x64xf32, #tpu.memory_space<vmem>>, vector<1x1024x64xf32>
    %get3A_1089 = vector.shape_cast %get3A_1088 : vector<1x1024x64xf32> to vector<1024x64xf32>
    %convert_element_type3A_1090 = arith.truncf %get3A_1089 : vector<1024x64xf32> to vector<1024x64xbf16>
    %swap3A_1091 = arith.constant 0 : index
    %swap3A_1092 = arith.constant 128 : index
    %swap3A_1093 = vector.load %arg11[%swap3A_1091, %swap3A_1092] : memref<1024x256xbf16, #tpu.memory_space<vmem>>, vector<1024x64xbf16>
    tpu.vector_store %arg11[%swap3A_1091, %swap3A_1092], %convert_element_type3A_1090 {strides = array<i32>} : memref<1024x256xbf16, #tpu.memory_space<vmem>>, vector<1024x64xbf16>,
    %get3A_1094 = arith.constant 0 : index
    %get3A_1095 = arith.constant 0 : index
    %get3A_1096 = vector.load %arg11[%get3A_1094, %get3A_1095] : memref<1024x256xbf16, #tpu.memory_space<vmem>>, vector<1024x256xbf16>
    %get3A_1097 = arith.constant 0 : index
    %get3A_1098 = arith.constant 0 : index
    %get3A_1099 = vector.load %arg4[%get3A_1097, %get3A_1098] : memref<256x512xbf16, #tpu.memory_space<vmem>>, vector<256x512xbf16>
    %dot_general3A_1100 = arith.constant dense<0.000000e+00> : vector<1024x512xf32>
    %dot_general3A_1101 = tpu.matmul %get3A_1096, %get3A_1099, %dot_general3A_1100 {dimension_numbers = #tpu.dot_dimension_numbers<[1], [0], [0], [1], [0, 0, 1, 1], [], []>, transpose_lhs_hint = false} : vector<1024x256xbf16>, vector<256x512xbf16>, vector<1024x512xf32> -> vector<1024x512xf32>
    %slice3A_1102 = vector.extract_strided_slice %dot_general3A_1101 {offsets = [0, 0], sizes = [1024, 128], strides = [1, 1]} : vector<1024x512xf32> to vector<1024x128xf32>
    %tanh3A_1103 = math.tanh %slice3A_1102 : vector<1024x128xf32>
    %slice3A_1104 = vector.extract_strided_slice %dot_general3A_1101 {offsets = [0, 128], sizes = [1024, 128], strides = [1, 1]} : vector<1024x512xf32> to vector<1024x128xf32>
    %tanh3A_1105 = math.tanh %slice3A_1104 : vector<1024x128xf32>
    %slice3A_1106 = vector.extract_strided_slice %dot_general3A_1101 {offsets = [0, 256], sizes = [1024, 128], strides = [1, 1]} : vector<1024x512xf32> to vector<1024x128xf32>
    %tanh3A_1107 = math.tanh %slice3A_1106 : vector<1024x128xf32>
    %slice3A_1108 = vector.extract_strided_slice %dot_general3A_1101 {offsets = [0, 384], sizes = [1024, 128], strides = [1, 1]} : vector<1024x512xf32> to vector<1024x128xf32>
    %tanh3A_1109 = math.tanh %slice3A_1108 : vector<1024x128xf32>
    %mul3A_1110 = arith.constant 5.000000e-01 : f32
    %mul3A_1111 = vector.broadcast %mul3A_1110 : f32 to vector<1024x128xf32>
    %mul3A_1112 = arith.mulf %mul3A_1111, %tanh3A_1105 : vector<1024x128xf32>
    %add3A_1113 = arith.constant 5.000000e-01 : f32
    %add3A_1114 = vector.broadcast %add3A_1113 : f32 to vector<1024x128xf32>
    %add3A_1115 = arith.addf %mul3A_1112, %add3A_1114 : vector<1024x128xf32>
    %get3A_1116 = arith.constant 0 : index
    %get3A_1117 = arith.constant 0 : index
    %get3A_1118 = vector.load %arg13[%get3A_1116, %get3A_1117] : memref<1024x128xf32, #tpu.memory_space<vmem>>, vector<1024x128xf32>
    %mul3A_1119 = arith.mulf %add3A_1115, %get3A_1118 : vector<1024x128xf32>
    %mul3A_1120 = arith.constant 5.000000e-01 : f32
    %mul3A_1121 = vector.broadcast %mul3A_1120 : f32 to vector<1024x128xf32>
    %mul3A_1122 = arith.mulf %mul3A_1121, %tanh3A_1103 : vector<1024x128xf32>
    %add3A_1123 = arith.constant 5.000000e-01 : f32
    %add3A_1124 = vector.broadcast %add3A_1123 : f32 to vector<1024x128xf32>
    %add3A_1125 = arith.addf %mul3A_1122, %add3A_1124 : vector<1024x128xf32>
    %mul3A_1126 = arith.mulf %add3A_1125, %tanh3A_1107 : vector<1024x128xf32>
    %add3A_1127 = arith.addf %mul3A_1119, %mul3A_1126 : vector<1024x128xf32>
    %mul3A_1128 = arith.constant 5.000000e-01 : f32
    %mul3A_1129 = vector.broadcast %mul3A_1128 : f32 to vector<1024x128xf32>
    %mul3A_1130 = arith.mulf %mul3A_1129, %tanh3A_1109 : vector<1024x128xf32>
    %add3A_1131 = arith.constant 5.000000e-01 : f32
    %add3A_1132 = vector.broadcast %add3A_1131 : f32 to vector<1024x128xf32>
    %add3A_1133 = arith.addf %mul3A_1130, %add3A_1132 : vector<1024x128xf32>
    %tanh3A_1134 = math.tanh %add3A_1127 : vector<1024x128xf32>
    %mul3A_1135 = arith.mulf %add3A_1133, %tanh3A_1134 : vector<1024x128xf32>
    %swap3A_1136 = arith.constant 0 : index
    %swap3A_1137 = arith.constant 0 : index
    %swap3A_1138 = vector.load %arg13[%swap3A_1136, %swap3A_1137] : memref<1024x128xf32, #tpu.memory_space<vmem>>, vector<1024x128xf32>
    tpu.vector_store %arg13[%swap3A_1136, %swap3A_1137], %add3A_1127 {strides = array<i32>} : memref<1024x128xf32, #tpu.memory_space<vmem>>, vector<1024x128xf32>,
    %convert_element_type3A_1139 = arith.truncf %mul3A_1135 : vector<1024x128xf32> to vector<1024x128xbf16>
    %swap3A_1140 = arith.constant 0 : index
    %swap3A_1141 = arith.constant 0 : index
    %swap3A_1142 = vector.load %arg11[%swap3A_1140, %swap3A_1141] : memref<1024x256xbf16, #tpu.memory_space<vmem>>, vector<1024x128xbf16>
    tpu.vector_store %arg11[%swap3A_1140, %swap3A_1141], %convert_element_type3A_1139 {strides = array<i32>} : memref<1024x256xbf16, #tpu.memory_space<vmem>>, vector<1024x128xbf16>,
    %get3A_1143 = arith.constant 0 : index
    %get3A_1144 = arith.constant 0 : index
    %get3A_1145 = vector.load %arg6[%get3A_1143, %get3A_1144] : memref<128x64xbf16, #tpu.memory_space<vmem>>, vector<128x64xbf16>
    %dot_general3A_1146 = arith.constant dense<0.000000e+00> : vector<1024x64xf32>
    %dot_general3A_1147 = tpu.matmul %convert_element_type3A_1139, %get3A_1145, %dot_general3A_1146 {dimension_numbers = #tpu.dot_dimension_numbers<[1], [0], [0], [1], [0, 0, 1, 1], [], []>, transpose_lhs_hint = false} : vector<1024x128xbf16>, vector<128x64xbf16>, vector<1024x64xf32> -> vector<1024x64xf32>
    %convert_element_type3A_1148 = arith.truncf %dot_general3A_1147 : vector<1024x64xf32> to vector<1024x64xbf16>
    %swap3A_1149 = arith.constant 0 : index
    %swap3A_1150 = arith.constant 0 : index
    %swap3A_1151 = arith.constant 0 : index
    %swap3A_1152 = vector.load %arg9[%swap3A_1149, %swap3A_1150, %swap3A_1151] : memref<8x1024x64xbf16, #tpu.memory_space<vmem>>, vector<1x1024x64xbf16>
    %swap3A_1153 = vector.shape_cast %swap3A_1152 : vector<1x1024x64xbf16> to vector<1024x64xbf16>
    %swap3A_1154 = vector.shape_cast %convert_element_type3A_1148 : vector<1024x64xbf16> to vector<1x1024x64xbf16>
    tpu.vector_store %arg9[%swap3A_1149, %swap3A_1150, %swap3A_1151], %swap3A_1154 {strides = array<i32>} : memref<8x1024x64xbf16, #tpu.memory_space<vmem>>, vector<1x1024x64xbf16>,
    return
  }
  func.func @transform_0(%arg0: i32) -> (i32, i32, i32) {
    %c0_i32 = arith.constant 0 : i32
    %c0_i32_0 = arith.constant 0 : i32
    %c0_i32_1 = arith.constant 0 : i32
    return %arg0, %c0_i32, %c0_i32_0 : i32, i32, i32
  }
  func.func @transform_1(%arg0: i32) -> (i32, i32, i32) {
    %sub3A = arith.constant 24 : i32
    %sub3A_0 = arith.subi %sub3A, %arg0 : i32
    %c0_i32 = arith.constant 0 : i32
    %c0_i32_1 = arith.constant 0 : i32
    %c0_i32_2 = arith.constant 0 : i32
    return %sub3A_0, %c0_i32, %c0_i32_1 : i32, i32, i32
  }
  func.func @transform_2(%arg0: i32) -> (i32, i32) {
    %c0_i32 = arith.constant 0 : i32
    %c0_i32_0 = arith.constant 0 : i32
    %c0_i32_1 = arith.constant 0 : i32
    return %c0_i32, %c0_i32_0 : i32, i32
  }
  func.func @transform_3(%arg0: i32) -> (i32, i32) {
    %c0_i32 = arith.constant 0 : i32
    %c0_i32_0 = arith.constant 0 : i32
    %c0_i32_1 = arith.constant 0 : i32
    return %c0_i32, %c0_i32_0 : i32, i32
  }
  func.func @transform_4(%arg0: i32) -> (i32, i32) {
    %c0_i32 = arith.constant 0 : i32
    %c0_i32_0 = arith.constant 0 : i32
    %c0_i32_1 = arith.constant 0 : i32
    return %c0_i32, %c0_i32_0 : i32, i32
  }
  func.func @transform_5(%arg0: i32) -> (i32, i32) {
    %c0_i32 = arith.constant 0 : i32
    %c0_i32_0 = arith.constant 0 : i32
    %c0_i32_1 = arith.constant 0 : i32
    return %c0_i32, %c0_i32_0 : i32, i32
  }
  func.func @transform_6(%arg0: i32) -> (i32, i32) {
    %c0_i32 = arith.constant 0 : i32
    %c0_i32_0 = arith.constant 0 : i32
    %c0_i32_1 = arith.constant 0 : i32
    return %c0_i32, %c0_i32_0 : i32, i32
  }
  func.func @transform_7(%arg0: i32) -> (i32, i32, i32) {
    %c0_i32 = arith.constant 0 : i32
    %c0_i32_0 = arith.constant 0 : i32
    %c0_i32_1 = arith.constant 0 : i32
    return %arg0, %c0_i32, %c0_i32_0 : i32, i32, i32
  }
  func.func @transform_8(%arg0: i32) -> (i32, i32, i32) {
    %sub3A = arith.constant 24 : i32
    %sub3A_0 = arith.subi %sub3A, %arg0 : i32
    %c0_i32 = arith.constant 0 : i32
    %c0_i32_1 = arith.constant 0 : i32
    %c0_i32_2 = arith.constant 0 : i32
    return %sub3A_0, %c0_i32, %c0_i32_1 : i32, i32, i32
  }
}

module attributes {stable_mosaic.version = 14 : i64} {
  func.func @_combine_body(%arg0: i32, %arg1: memref<200x64x64xbf16, #tpu.memory_space<vmem>>, %arg2: memref<200x64x64xbf16, #tpu.memory_space<vmem>>, %arg3: memref<64x200x50xf32, #tpu.memory_space<vmem>>) attributes {dimension_semantics = [#tpu.dimension_semantics<arbitrary>], iteration_bounds = array<i64: 16>, scalar_prefetch = 0 : i64, scratch_operands = 0 : i64, tpu.core_type = #tpu.core_type<tc>, window_params = [{transform_indices = @transform_0, window_bounds = array<i64: 200, 64, 64>}, {transform_indices = @transform_1, window_bounds = array<i64: 200, 64, 64>}, {transform_indices = @transform_2, window_bounds = array<i64: 64, 200, 50>}]} {
    %get3A = arith.constant 0 : index
    %get3A_0 = arith.constant 0 : index
    %get3A_1 = arith.constant 0 : index
    %get3A_2 = vector.load %arg1[%get3A, %get3A_0, %get3A_1] : memref<200x64x64xbf16, #tpu.memory_space<vmem>>, vector<200x64x64xbf16>
    %convert_element_type3A = arith.extf %get3A_2 : vector<200x64x64xbf16> to vector<200x64x64xf32>
    %get3A_3 = arith.constant 0 : index
    %get3A_4 = arith.constant 0 : index
    %get3A_5 = arith.constant 0 : index
    %get3A_6 = vector.load %arg2[%get3A_3, %get3A_4, %get3A_5] : memref<200x64x64xbf16, #tpu.memory_space<vmem>>, vector<200x64x64xbf16>
    %convert_element_type3A_7 = arith.extf %get3A_6 : vector<200x64x64xbf16> to vector<200x64x64xf32>
    %add3A = arith.addf %convert_element_type3A, %convert_element_type3A_7 : vector<200x64x64xf32>
    %transpose3A = tpu.transpose %add3A, [1, 0, 2] : vector<200x64x64xf32> -> vector<64x200x64xf32>
    %slice3A = vector.extract_strided_slice %transpose3A {offsets = [0, 0, 0], sizes = [64, 200, 50], strides = [1, 1, 1]} : vector<64x200x64xf32> to vector<64x200x50xf32>
    %swap3A = arith.constant 0 : index
    %swap3A_8 = arith.constant 0 : index
    %swap3A_9 = arith.constant 0 : index
    %swap3A_10 = vector.load %arg3[%swap3A, %swap3A_8, %swap3A_9] : memref<64x200x50xf32, #tpu.memory_space<vmem>>, vector<64x200x50xf32>
    tpu.vector_store %arg3[%swap3A, %swap3A_8, %swap3A_9], %slice3A {strides = array<i32>} : memref<64x200x50xf32, #tpu.memory_space<vmem>>, vector<64x200x50xf32>,
    return
  }
  func.func @transform_0(%arg0: i32) -> (i32, i32, i32) {
    %c0_i32 = arith.constant 0 : i32
    %c0_i32_0 = arith.constant 0 : i32
    %c0_i32_1 = arith.constant 0 : i32
    return %c0_i32, %arg0, %c0_i32_0 : i32, i32, i32
  }
  func.func @transform_1(%arg0: i32) -> (i32, i32, i32) {
    %c0_i32 = arith.constant 0 : i32
    %c0_i32_0 = arith.constant 0 : i32
    %c0_i32_1 = arith.constant 0 : i32
    return %c0_i32, %arg0, %c0_i32_0 : i32, i32, i32
  }
  func.func @transform_2(%arg0: i32) -> (i32, i32, i32) {
    %c0_i32 = arith.constant 0 : i32
    %c0_i32_0 = arith.constant 0 : i32
    %c0_i32_1 = arith.constant 0 : i32
    return %arg0, %c0_i32, %c0_i32_0 : i32, i32, i32
  }
}

</mosaic_0001>

<sc_bundles>
// kernel: kernel.5.cloned.1.call-start
scs
__scs_entry_jumppad:
0x0: {  	(pc) =	sbr.rel $0x88, $3  }
0x1: {  	(tag) =	ssettag $0x0;
	lr =	simm.s32 $0x1  }
0x2: {  	[smem:$0x3F95] =	sst lr;
	_ =	strace $0xD0000000  }
0x3: {  	_ = 	snop  }
0x4: {  	_ = 	snop  }
0x5: {  	_ = 	snop  }
0x6: {  	_ = 	snop  }
0x7: {  	_ = 	snop  }
__scs_overlays_trampoline_lowered:
0x8: {  	[smem:$0x3FA4] =	sst s0  }
0x9: {  	[smem:$0x3FA5] =	sst s1  }
0xa: {  	[smem:$0x3FA6] =	sst s2  }
0xb: {  	[smem:$0x3FA7] =	sst s3  }
0xc: {  	[smem:$0x3FA8] =	sst s4  }
0xd: {  	[smem:$0x3FA9] =	sst s5  }
0xe: {  	[smem:$0x3FAA] =	sst s6  }
0xf: {  	[smem:$0x3FAB] =	sst s7  }
0x10: {  	[smem:$0x3FAC] =	sst s8  }
0x11: {  	[smem:$0x3FAD] =	sst s9;
	s0 =	simm.s32 @!p0 $0x0  }
0x12: {  	s1 =	sld [smem:$0x3F93];
	s0 =	simm.s32 @p0 $0x1  }
0x13: {  	[smem:$0x3FAE] =	sst s0;
	s0 =	simm.s32 @!p1 $0x0  }
0x14: {  	s2 =	sld [smem:$0x3F92];
	s0 =	simm.s32 @p1 $0x1  }
0x15: {  	[smem:$0x3FAF] =	sst s0;
	s0 =	simm.s32 @!p2 $0x0  }
0x16: {  	s3 =	sld [smem:$0x3FDB];
	s0 =	simm.s32 @p2 $0x1  }
0x17: {  	s4 =	simm.s32 $0x1BF5;
	[smem:$0x3FB1] =	sst s0  }
0x18: {  	s0 =	sld [smem:$0x3F94];
	_ =	swait.ge [sflag:s4], $0x0  }
0x19: {  	s7 =	sld [smem:$0x3F95]  }
0x1a: {  	s8 =	sadd.s32 $0xFFFFE003, lr  }
0x1b: {  	s9 =	sadd.s32 $0xFFFFFEF7, lr;
	s5 =	simm.s32 $0xFFFFFFFF;
	p2 =	slt.u32 s8, $0xFFFFF086  }
0x1c: {  	p1 =	slt.u32 s9, $0xF7A;
	s5 =	simm.s32 @!p2 $0x0  }
0x1d: {  	s5 =	simm.s32 @p1 $0x1;
	p0 =	seq.s32 s7, s2  }
0x1e: {  	s7 =	smul.u32 @!p0 $0xF7A, s2;
	p2 =	seq.s32 @!p0 s5, $0x0  }
0x1f: {  	s9 =	smul.u32 $0xF7A, s1;
	s8 =	simm.s32 @!p0 $0x1BF5;
	p2 =	por !p2, p0  }
0x20: {  	[sflag:s8] =	ssyncset.s32 @!p0 $0xFFFFF086;
	s6 =	sadd.s32 @!p0 s3, s7;
	s7 =	simm.s32 @!p0 $0x108  }
0x21: {  	s3 =	sadd.s32 s3, s9;
	s6 =	sadd.s32 @!p0 $0x88, s6;
	s7 =	simm.s32 @p2 $0x1082  }
0x22: {  	[simem:s7], [sflag:s8] =	dma.local @!p0 [hbm:s6], $0xF7A  }
0x23: {  	s9 =	sor.u32 $0xD0000000, s2;
	s6 =	simm.s32 $0x108;
	_ =	swait.ge @!p0 [sflag:s8], $0x0  }
0x24: {  	s3 =	sadd.s32 $0x88, s3;
	s6 =	simm.s32 @!p1 $0x1082;
	[sflag:s4] =	ssyncset.s32 $0xFFFFF086  }
0x25: {  	[simem:s6], [sflag:s4] =	dma.local [hbm:s3], $0xF7A  }
0x26: {  	[smem:$0x3F95] =	sst s1;
	(tag) =	ssettag s2;
	_ =	strace s9  }
0x27: {  	s1 =	sld [smem:$0x3FA5]  }
0x28: {  	s2 =	sld [smem:$0x3FA6]  }
0x29: {  	s4 =	sld [smem:$0x3FA8]  }
0x2a: {  	p0 =	seq.s32 s5, $0x0;
	s5 =	sld [smem:$0x3FA9]  }
0x2b: {  	s6 =	sld [smem:$0x3FAA]  }
0x2c: {  	s7 =	sld [smem:$0x3FAB]  }
0x2d: {  	s3 =	simm.s32 $0x108;
	s8 =	sld [smem:$0x3FAC]  }
0x2e: {  	s3 =	simm.s32 @!p0 $0x1082;
	s9 =	sld [smem:$0x3FAD]  }
0x2f: {  	lr =	sadd.s32 s0, s3;
	s0 =	sld [smem:$0x3FA4]  }
0x30: {  	s3 =	sld [smem:$0x3FA7]  }
0x31: {  	[smem:$0x3FB0] =	sst s10  }
0x32: {  	s10 =	sld [smem:$0x3FAE];
	_ =	sdelay $0x3  }
0x33: {  	p0 =	seq.s32 s10, $0x1;
	s10 =	sld [smem:$0x3FB0];
	_ =	sdelay $0x3  }
0x34: {  	[smem:$0x3FB0] =	sst s10  }
0x35: {  	s10 =	sld [smem:$0x3FAF];
	_ =	sdelay $0x3  }
0x36: {  	p1 =	seq.s32 s10, $0x1;
	s10 =	sld [smem:$0x3FB0];
	_ =	sdelay $0x3  }
0x37: {  	[smem:$0x3FB0] =	sst s10  }
0x38: {  	s10 =	sld [smem:$0x3FB1]  }
0x39: {  	_ = 	snop;
	(pc) =	sbr.ind lr, $3  }
0x3a: {  	_ = 	snop  }
0x3b: {  	_ = 	snop  }
0x3c: {  	p2 =	seq.s32 s10, $0x1;
	s10 =	sld [smem:$0x3FB0]  }
0x3d: {  	_ =	shalt  }
0x3e: {  	_ =	shalt  }
0x3f: {  	_ =	shalt  }
0x40: {  	_ =	shalt  }
0x41: {  	_ =	shalt  }
0x42: {  	_ =	shalt  }
0x43: {  	_ =	shalt  }
0x44: {  	_ =	shalt  }
0x45: {  	_ =	shalt  }
0x46: {  	_ =	shalt  }
0x47: {  	_ =	shalt  }
0x48: {  	_ =	shalt  }
0x49: {  	_ =	shalt  }
0x4a: {  	_ =	shalt  }
0x4b: {  	_ =	shalt  }
0x4c: {  	_ =	shalt  }
0x4d: {  	_ =	shalt  }
0x4e: {  	_ =	shalt  }
0x4f: {  	_ =	shalt  }
0x50: {  	_ =	shalt  }
0x51: {  	_ =	shalt  }
0x52: {  	_ =	shalt  }
0x53: {  	_ =	shalt  }
0x54: {  	_ =	shalt  }
0x55: {  	_ =	shalt  }
0x56: {  	_ =	shalt  }
0x57: {  	_ =	shalt  }
0x58: {  	_ =	shalt  }
0x59: {  	_ =	shalt  }
0x5a: {  	_ =	shalt  }
0x5b: {  	_ =	shalt  }
0x5c: {  	_ =	shalt  }
0x5d: {  	_ =	shalt  }
0x5e: {  	_ =	shalt  }
0x5f: {  	_ =	shalt  }
0x60: {  	_ =	shalt  }
0x61: {  	_ =	shalt  }
0x62: {  	_ =	shalt  }
0x63: {  	_ =	shalt  }
0x64: {  	_ =	shalt  }
0x65: {  	_ =	shalt  }
0x66: {  	_ =	shalt  }
0x67: {  	_ =	shalt  }
0x68: {  	_ =	shalt  }
0x69: {  	_ =	shalt  }
0x6a: {  	_ =	shalt  }
0x6b: {  	_ =	shalt  }
0x6c: {  	_ =	shalt  }
0x6d: {  	_ =	shalt  }
0x6e: {  	_ =	shalt  }
0x6f: {  	_ =	shalt  }
0x70: {  	_ =	shalt  }
0x71: {  	_ =	shalt  }
0x72: {  	_ =	shalt  }
0x73: {  	_ =	shalt  }
0x74: {  	_ =	shalt  }
0x75: {  	_ =	shalt  }
0x76: {  	_ =	shalt  }
0x77: {  	_ =	shalt  }
0x78: {  	_ =	shalt  }
0x79: {  	_ =	shalt  }
0x7a: {  	_ =	shalt  }
0x7b: {  	_ =	shalt  }
0x7c: {  	_ =	shalt  }
0x7d: {  	_ =	shalt  }
0x7e: {  	_ =	shalt  }
0x7f: {  	_ =	shalt  }
0x80: {  	_ =	shalt  }
0x81: {  	_ =	shalt  }
0x82: {  	_ =	shalt  }
0x83: {  	_ =	shalt  }
0x84: {  	_ =	shalt  }
0x85: {  	_ =	shalt  }
0x86: {  	_ =	shalt  }
0x87: {  	_ =	shalt  }
.Lfunc_end0:
.L_simem_size_0:
called_computation_lowered:
.L_overlay_start_0:
0x88: {  	s2 =	sld [smem:$0x3FD9]  }
0x89: {  	s3 =	sld [smem:$0x3FFE];
	_ =	sdelay $0x1  }
0x8a: {  	s1 =	srdreg.scid  }
0x8b: {  	s0 =	sand.u32 $0x1, s1  }
0x8c: {  	s17 =	sshll.u32 s0, $0xA;
	s2 =	sadd.s32 s3, s2  }
0x8d: {  	s2 =	sadd.s32 s2, s17  }
0x8e: {  	[smem:$0x3FBC] =	sst s2  }
0x8f: {  	_ = 	snop  }
0x90: {  	s2 =	sld [smem:$0x3FD0];
	(tm) =	ssettm $0x1  }
0x91: {  	s18 =	sld [smem:$0x3FFB];
	_ =	sdelay $0x3  }
0x92: {  	_ =	strace s18  }
0x93: {  	s3 =	sld [smem:$0x3FFC];
	_ =	sdelay $0x3  }
0x94: {  	_ =	strace s3  }
0x95: {  	s3 =	sld [smem:$0x3FFD];
	_ =	sdelay $0x3  }
0x96: {  	_ =	strace s3  }
0x97: {  	_ =	strace $0x8FFFFFFF  }
0x98: {  	s19 =	sld [smem:$0x3FDB];
	_ =	sdelay $0x1  }
0x99: {  	s4 =	simm.s32 $_scs_section_size  }
0x9a: {  	s5 =	simm.s32 $_size__tile_overlayer_lowered;
	s6 =	simm.s32 $_tile_overlayer_lowered  }
0x9b: {  	s22 =	simm.s32 $0x1BFF;
	s21 =	sshll.u32 s6, $0x1;
	s3 =	sadd.s32 s4, s19  }
0x9c: {  	s7 =	simm.s32 $0x0;
	s20 =	sshll.u32 s5, $0x1;
	s5 =	sadd.s32 s21, s3  }
0x9d: {  	[timem:s7], [sflag:s22] =	dma.local [hbm:s5], s20  }
0x9e: {  	_ =	swait.ge [sflag:s22], s20  }
0x9f: {  	s4 =	ssub.s32 $0x0, s20;
	[sflag:s22] =	ssyncset.done $0x0  }
0xa0: {  	[sflag:s22] =	ssyncadd.s32 s4;
	_ =	sdelay $0x1  }
0xa1: {  	s23 =	simm.s32 $0x1B8B  }
0xa2: {  	_ =	swait.ge [sflag:s23], $0x1  }
0xa3: {  	[sflag:s23] =	ssyncset.done $0x0  }
0xa4: {  	s25 =	simm.s32 $0x1B8E;
	s24 =	sld [smem:$0x3FFE];
	[sflag:s23] =	ssyncadd.s32 $0xFFFFFFFF  }
0xa5: {  	s26 =	simm.s32 $execute0_lowered;
	[smem:$0x3FD2] =	sst s25  }
0xa6: {  	s5 =	sshll.u32 s26, $0x1;
	_ =	strace $0x80000046;
	[dreg:$0x1] =	wrdreg $0xFFFFFFFF  }
0xa7: {  	s28 =	simm.s32 $_size_execute0_lowered;
	s3 =	sadd.s32 s3, s5;
	[dreg:$0x0] =	wrdreg $0x0  }
0xa8: {  	s5 =	sshll.u32 s28, $0x1;
	[dreg:$0x2] =	wrdreg s3  }
0xa9: {  	[dreg:$0x3] =	wrdreg s5  }
0xaa: {  	[dreg:$0x4] =	wrdreg $0xC0  }
0xab: {  	_ =	task [dreg:s7], $0x5FFFF  }
0xac: {  	[dreg:$0x1] =	wrdreg $0xFFFFFFFF  }
0xad: {  	[dreg:$0x0] =	wrdreg $0x60  }
0xae: {  	[dreg:$0x2] =	wrdreg s24  }
0xaf: {  	[dreg:$0x3] =	wrdreg s2  }
0xb0: {  	[dreg:$0x4] =	wrdreg $0x9  }
0xb1: {  	_ =	task.clear_ibuf [dreg:s7], $0x5FFFF;
	_ =	strace $0x90000046  }
0xb2: {  	s29 =	simm.s32 $0x9;
	_ =	strace $0x80000048  }
0xb3: {  	_ =	swait.ge [sflag:s29], $0x1  }
0xb4: {  	[sflag:s29] =	ssyncadd.s32 $0xFFFFFFFF  }
0xb5: {  	_ =	strace $0x90000048  }
0xb6: {  	_ =	sfence  }
0xb7: {  	s30 =	sld [smem:$0x0];
	_ =	sdelay $0x2  }
0xb8: {  	s31 =	sshll.u32 s1, $0xD;
	s1 =	sshrl.u32 s1, $0x2  }
0xb9: {  	s3 =	sand.u32 $0x4000, s31;
	s1 =	sadd.s32 s1, s30  }
0xba: {  	s0 =	sor.u32 s3, s0;
	s1 =	sshll.u32 s1, $0x11  }
0xbb: {  	s0 =	sor.u32 s1, s0  }
0xbc: {  	s0 =	sadd.s32 $0x8F2B, s0  }
0xbd: {  	[sflag:s0] =	ssyncadd.remote.s32 $0x1  }
0xbe: {  	_ =	sfence.sel $0xFFFF  }
0xbf: {  	[dreg:$0x0] =	wrdreg $0xFFFFFFFF;
	(pc) =	sbr.abs _section_cstart, $3  }
0xc0: {  	[dreg:$0x1] =	wrdreg $0xFFFFFFFF  }
0xc1: {  	_ =	task.clear_ibuf [dreg:s7], $0x2FFFF;
	_ =	strace $0x9FFFFFFF  }
0xc2: {  	(tm) =	ssettm $0x7FFFFFFF  }
0xc3: {  	_ =	shalt  }
tec
execute0_lowered:
.L_overlay_start_1:
0x0: {  	(tag) =	ssettag $0x1  }
0x1: {  	s0 =	rddreg [dreg:$0x0]  }
0x2: {  	s1 =	srdreg.scid;
	s8 =	stileid.u32  }
0x3: {  	s2 =	rddreg [dreg:$0x1];
	s3 =	simm.s32 $0x0;
	s9 =	simm.s32 $0x3  }
0x4: {  	s10 =	simm.s32 $0x80;
	s11 =	simm.s32 $0x1900;
	s19 =	simm.s32 $0x1  }
0x5: {  	s21 =	simm.s32 $0xB900;
	s28 =	simm.s32 $0x11900;
	s29 =	simm.s32 $0x480  }
0x6: {  	s30 =	simm.s32 $0x13900;
	s1 =	sand.u32 $0x1, s1;
	s4 =	sshll.u32 s8, $0x1  }
0x7: {  	s31 =	simm.s32 $0x2;
	s8 =	smul.u32 $0x19000, s8;
	s4 =	sor.u32 s1, s4  }
0x8: {  	[smem:$0x7FF] =	sst s3;
	s6 =	ssub.s32 $0x2, s1;
	s5 =	smul.u32 $0x1900, s4  }
0x9: {  	_ =	strace $0x80000047;
	s1 =	smul.u32 $0xC800, s1;
	s26 =	sshrl.u32 s6, $0x1  }
0xa: {  	s7 =	smul.u32 $0xC800, s4;
	s6 =	ssub.s32 s6, s26;
	s5 =	sshrl.u32 s5, $0x3  }
0xb: {  	s26 =	simm.s32 $0x400;
	s25 =	sadd.s32 s5, s0;
	s0 =	sadd.s32 $0x8200, s0  }
0xc: {  	s6 =	smax.u32 s6, $0x1;
	s5 =	sadd.s32 s0, s7;
	s0 =	sadd.s32 s8, s0  }
0xd: {  	s4 =	sadd.s32 $0x1E00, s25;
	s25 =	simm.s32 $0xF900;
	s0 =	sadd.s32 s1, s0  }
0xe: {  	s7 =	sadd.s32 $0x1400, s5;
	s1 =	simm.s32 $0x0;
	s16 =	sadd.s32 $0x2800, s0  }
.LBB2_1:
0xf: {  	[tilespmem:s3], [sflag:$0x3] =	stream.linear.gather [hbm4b:s4+s3], $0x1900, $0x38;
	[tilespmem:$0x15900] =	vst v63  }
0x10: {  	_ =	swait.ge [sflag:s9], $0x1900  }
0x11: {  	[sflag:s9] =	ssyncset.done $0x0  }
0x12: {  	[sflag:s9] =	ssyncadd.s32 $0xFFFFE700  }
0x13: {  	[tilespmem:s11], [sflag:$0x1] =	stream.indirect.gather [hbm4b:s2+s10], $0x40, s3, s10, $0xb8;
	[tilespmem:$0x15900] =	vst v63  }
0x14: {  	s0 =	simm.s32 $0x3900  }
0x15: {  	[tilespmem:s0], [sflag:$0x1] =	stream.indirect.gather [hbm4b:s2+s10], $0x40, s10, s10, $0xb8;
	[tilespmem:$0x15900] =	vst v63  }
0x16: {  	s14 =	simm.s32 $0x100;
	s8 =	simm.s32 $0x5900  }
0x17: {  	[tilespmem:s8], [sflag:$0x1] =	stream.indirect.gather [hbm4b:s2+s10], $0x40, s14, s10, $0xb8;
	[tilespmem:$0x15900] =	vst v63  }
0x18: {  	s15 =	simm.s32 $0x180;
	s17 =	simm.s32 $0x7900  }
0x19: {  	[tilespmem:s17], [sflag:$0x1] =	stream.indirect.gather [hbm4b:s2+s10], $0x40, s15, s10, $0xb8;
	[tilespmem:$0x15900] =	vst v63  }
0x1a: {  	s18 =	simm.s32 $0x200;
	s20 =	simm.s32 $0x9900  }
0x1b: {  	[tilespmem:s20], [sflag:$0x1] =	stream.indirect.gather [hbm4b:s2+s10], $0x40, s18, s10, $0xb8;
	[tilespmem:$0x15900] =	vst v63  }
0x1c: {  	_ =	swait.ge [sflag:s19], $0x2000  }
0x1d: {  	[sflag:s19] =	ssyncset.done $0x0  }
0x1e: {  	[sflag:s19] =	ssyncadd.s32 $0xFFFFE000  }
0x1f: {  	_ =	swait.ge [sflag:s19], $0x2000  }
0x20: {  	[sflag:s19] =	ssyncset.done $0x0  }
0x21: {  	[sflag:s19] =	ssyncadd.s32 $0xFFFFE000  }
0x22: {  	_ =	swait.ge [sflag:s19], $0x2000  }
0x23: {  	[sflag:s19] =	ssyncset.done $0x0  }
0x24: {  	[sflag:s19] =	ssyncadd.s32 $0xFFFFE000  }
0x25: {  	_ =	swait.ge [sflag:s19], $0x2000  }
0x26: {  	[sflag:s19] =	ssyncset.done $0x0  }
0x27: {  	[sflag:s19] =	ssyncadd.s32 $0xFFFFE000  }
0x28: {  	_ =	swait.ge [sflag:s19], $0x2000  }
0x29: {  	[sflag:s19] =	ssyncset.done $0x0  }
0x2a: {  	[sflag:s19] =	ssyncadd.s32 $0xFFFFE000  }
0x2b: {  	[hbm4b:s5+s3] =	stream.linear.scatter [tilespmem:s11], [sflag:$0x2], $0xA000, $0x38;
	[tilespmem:$0x15900] =	vst v63  }
0x2c: {  	s22 =	simm.s32 $0x280  }
0x2d: {  	[tilespmem:s21], [sflag:$0x1] =	stream.indirect.gather [hbm4b:s2+s10], $0x40, s22, s10, $0xb8;
	[tilespmem:$0x15900] =	vst v63  }
0x2e: {  	s23 =	simm.s32 $0x300;
	s24 =	simm.s32 $0xD900  }
0x2f: {  	[tilespmem:s24], [sflag:$0x1] =	stream.indirect.gather [hbm4b:s2+s10], $0x40, s23, s10, $0xb8;
	[tilespmem:$0x15900] =	vst v63  }
0x30: {  	s12 =	simm.s32 $0x380  }
0x31: {  	[tilespmem:s25], [sflag:$0x1] =	stream.indirect.gather [hbm4b:s2+s10], $0x40, s12, s10, $0xb8;
	[tilespmem:$0x15900] =	vst v63  }
0x32: {  	_ = 	snop  }
0x33: {  	[tilespmem:s28], [sflag:$0x1] =	stream.indirect.gather [hbm4b:s2+s10], $0x40, s26, s10, $0xb8;
	[tilespmem:$0x15900] =	vst v63  }
0x34: {  	_ = 	snop  }
0x35: {  	[tilespmem:s30], [sflag:$0x1] =	stream.indirect.gather [hbm4b:s2+s10], $0x40, s29, s10, $0xb8;
	[tilespmem:$0x15900] =	vst v63  }
0x36: {  	_ =	swait.ge [sflag:s19], $0x2000  }
0x37: {  	[sflag:s19] =	ssyncset.done $0x0  }
0x38: {  	[sflag:s19] =	ssyncadd.s32 $0xFFFFE000  }
0x39: {  	_ =	swait.ge [sflag:s19], $0x2000  }
0x3a: {  	[sflag:s19] =	ssyncset.done $0x0  }
0x3b: {  	[sflag:s19] =	ssyncadd.s32 $0xFFFFE000  }
0x3c: {  	_ =	swait.ge [sflag:s19], $0x2000  }
0x3d: {  	[sflag:s19] =	ssyncset.done $0x0  }
0x3e: {  	[sflag:s19] =	ssyncadd.s32 $0xFFFFE000  }
0x3f: {  	_ =	swait.ge [sflag:s19], $0x2000  }
0x40: {  	[sflag:s19] =	ssyncset.done $0x0  }
0x41: {  	[sflag:s19] =	ssyncadd.s32 $0xFFFFE000  }
0x42: {  	_ =	swait.ge [sflag:s19], $0x2000  }
0x43: {  	[sflag:s19] =	ssyncset.done $0x0  }
0x44: {  	s13 =	sand.u32 $0x1, s31;
	[sflag:s19] =	ssyncadd.s32 $0xFFFFE000  }
0x45: {  	[hbm4b:s7+s3] =	stream.linear.scatter [tilespmem:s21], [sflag:$0x2], $0xA000, $0x38;
	[tilespmem:$0x15900] =	vst v63  }
0x46: {  	p0 =	seq.s32 s13, $0x1;
	s0 =	simm.s32 $0xA000;
	_ =	swait.ge [sflag:s31], $0xA000  }
0x47: {  	s0 =	simm.s32 @!p0 $0x0;
	[sflag:s31] =	ssyncset.done $0x0  }
0x48: {  	s14 =	simm.s32 $0x500;
	s12 =	sor.u32 $0x1900, s0;
	[sflag:s31] =	ssyncadd.s32 $0xFFFF6000  }
0x49: {  	[tilespmem:s12], [sflag:$0x1] =	stream.indirect.gather [hbm4b:s2+s10], $0x40, s14, s10, $0xb8;
	[tilespmem:$0x15900] =	vst v63  }
0x4a: {  	s13 =	simm.s32 $0x580;
	s15 =	sadd.s32 $0x3900, s0  }
0x4b: {  	[tilespmem:s15], [sflag:$0x1] =	stream.indirect.gather [hbm4b:s2+s10], $0x40, s13, s10, $0xb8;
	[tilespmem:$0x15900] =	vst v63  }
0x4c: {  	s17 =	sor.u32 $0x5900, s0;
	s18 =	simm.s32 $0x600  }
0x4d: {  	[tilespmem:s17], [sflag:$0x1] =	stream.indirect.gather [hbm4b:s2+s10], $0x40, s18, s10, $0xb8;
	[tilespmem:$0x15900] =	vst v63  }
0x4e: {  	s20 =	sadd.s32 $0x7900, s0;
	s22 =	simm.s32 $0x680  }
0x4f: {  	[tilespmem:s20], [sflag:$0x1] =	stream.indirect.gather [hbm4b:s2+s10], $0x40, s22, s10, $0xb8;
	[tilespmem:$0x15900] =	vst v63  }
0x50: {  	s23 =	simm.s32 $0x700;
	s0 =	sadd.s32 $0x9900, s0  }
0x51: {  	[tilespmem:s0], [sflag:$0x1] =	stream.indirect.gather [hbm4b:s2+s10], $0x40, s23, s10, $0xb8;
	[tilespmem:$0x15900] =	vst v63  }
0x52: {  	_ =	swait.ge [sflag:s19], $0x2000  }
0x53: {  	[sflag:s19] =	ssyncset.done $0x0  }
0x54: {  	[sflag:s19] =	ssyncadd.s32 $0xFFFFE000  }
0x55: {  	_ =	swait.ge [sflag:s19], $0x2000  }
0x56: {  	[sflag:s19] =	ssyncset.done $0x0  }
0x57: {  	[sflag:s19] =	ssyncadd.s32 $0xFFFFE000  }
0x58: {  	_ =	swait.ge [sflag:s19], $0x2000  }
0x59: {  	[sflag:s19] =	ssyncset.done $0x0  }
0x5a: {  	[sflag:s19] =	ssyncadd.s32 $0xFFFFE000  }
0x5b: {  	_ =	swait.ge [sflag:s19], $0x2000  }
0x5c: {  	[sflag:s19] =	ssyncset.done $0x0  }
0x5d: {  	s8 =	smov.u32 s16;
	[sflag:s19] =	ssyncadd.s32 $0xFFFFE000  }
0x5e: {  	s24 =	simm.s32 $0x3;
	s14 =	simm.s32 $0x1400;
	_ =	swait.ge [sflag:s19], $0x2000  }
0x5f: {  	s13 =	sand.u32 $0x1, s24;
	s15 =	simm.s32 $0x4;
	[sflag:s19] =	ssyncset.done $0x0  }
0x60: {  	s17 =	simm.s32 $0xA00;
	s0 =	sadd.s32 $0x1400, s16;
	[sflag:s19] =	ssyncadd.s32 $0xFFFFE000  }
.LBB2_2:
0x61: {  	[hbm4b:s8+s3] =	stream.linear.scatter [tilespmem:s12], [sflag:$0x2], $0xA000, $0x38;
	[tilespmem:$0x15900] =	vst v63  }
0x62: {  	s18 =	smov.u32 s14;
	s8 =	smov.u32 s0;
	p0 =	seq.s32 s13, $0x1  }
0x63: {  	s13 =	sand.u32 $0x1, s15;
	s20 =	simm.s32 $0xA000;
	_ =	swait.ge [sflag:s31], $0xA000  }
0x64: {  	s22 =	sshra.s32 s17, $0x2;
	s20 =	simm.s32 @!p0 $0x0;
	[sflag:s31] =	ssyncset.done $0x0  }
0x65: {  	s17 =	sadd.s32 $0x500, s22;
	s12 =	sor.u32 $0x1900, s20;
	[sflag:s31] =	ssyncadd.s32 $0xFFFF6000  }
0x66: {  	[tilespmem:s12], [sflag:$0x1] =	stream.indirect.gather [hbm4b:s2+s10], $0x40, s17, s10, $0xb8;
	[tilespmem:$0x15900] =	vst v63  }
0x67: {  	p0 =	sne.s32 s14, $0x4600;
	s23 =	sadd.s32 $0x580, s22;
	s17 =	sadd.s32 $0x3900, s20  }
0x68: {  	[tilespmem:s17], [sflag:$0x1] =	stream.indirect.gather [hbm4b:s2+s10], $0x40, s23, s10, $0xb8;
	[tilespmem:$0x15900] =	vst v63  }
0x69: {  	s14 =	sadd.s32 $0xA00, s14;
	s17 =	sor.u32 $0x5900, s20;
	s23 =	sadd.s32 $0x600, s22  }
0x6a: {  	[tilespmem:s17], [sflag:$0x1] =	stream.indirect.gather [hbm4b:s2+s10], $0x40, s23, s10, $0xb8;
	[tilespmem:$0x15900] =	vst v63  }
0x6b: {  	s24 =	sadd.s32 $0x680, s22;
	s23 =	sadd.s32 $0x7900, s20;
	s17 =	smov.u32 s18  }
0x6c: {  	[tilespmem:s23], [sflag:$0x1] =	stream.indirect.gather [hbm4b:s2+s10], $0x40, s24, s10, $0xb8;
	[tilespmem:$0x15900] =	vst v63  }
0x6d: {  	s18 =	sadd.s32 $0x9900, s20;
	s20 =	sadd.s32 $0x700, s22  }
0x6e: {  	[tilespmem:s18], [sflag:$0x1] =	stream.indirect.gather [hbm4b:s2+s10], $0x40, s20, s10, $0xb8;
	[tilespmem:$0x15900] =	vst v63  }
0x6f: {  	_ =	swait.ge [sflag:s19], $0x2000  }
0x70: {  	[sflag:s19] =	ssyncset.done $0x0  }
0x71: {  	[sflag:s19] =	ssyncadd.s32 $0xFFFFE000  }
0x72: {  	_ =	swait.ge [sflag:s19], $0x2000  }
0x73: {  	[sflag:s19] =	ssyncset.done $0x0  }
0x74: {  	[sflag:s19] =	ssyncadd.s32 $0xFFFFE000  }
0x75: {  	_ =	swait.ge [sflag:s19], $0x2000  }
0x76: {  	[sflag:s19] =	ssyncset.done $0x0  }
0x77: {  	[sflag:s19] =	ssyncadd.s32 $0xFFFFE000  }
0x78: {  	_ =	swait.ge [sflag:s19], $0x2000  }
.Ltmp0:
0x79: {  	[sflag:s19] =	ssyncset.done $0x0;
	(pc) =	sbr.rel @p0 .LBB2_2-.Ltmp0, $4  }
0x7a: {  	[sflag:s19] =	ssyncadd.s32 $0xFFFFE000  }
0x7b: {  	_ =	swait.ge [sflag:s19], $0x2000  }
0x7c: {  	[sflag:s19] =	ssyncset.done $0x0  }
0x7d: {  	s15 =	sadd.s32 $0x1, s15;
	s0 =	sadd.s32 $0x1400, s0;
	[sflag:s19] =	ssyncadd.s32 $0xFFFFE000  }
0x7e: {  	[hbm4b:s8+s3] =	stream.linear.scatter [tilespmem:s12], [sflag:$0x2], $0xA000, $0x38;
	[tilespmem:$0x15900] =	vst v63  }
0x7f: {  	p0 =	seq.s32 s13, $0x1;
	s8 =	simm.s32 $0xA000;
	_ =	swait.ge [sflag:s31], $0xA000  }
0x80: {  	s13 =	sshra.s32 s17, $0x2;
	s8 =	simm.s32 @!p0 $0x0;
	[sflag:s31] =	ssyncset.done $0x0  }
0x81: {  	s14 =	sadd.s32 $0x500, s13;
	s17 =	sor.u32 $0x1900, s8;
	[sflag:s31] =	ssyncadd.s32 $0xFFFF6000  }
0x82: {  	[tilespmem:s17], [sflag:$0x1] =	stream.indirect.gather [hbm4b:s2+s10], $0x40, s14, s10, $0xb8;
	[tilespmem:$0x15900] =	vst v63  }
0x83: {  	s15 =	sadd.s32 $0x580, s13;
	s18 =	sadd.s32 $0x3900, s8  }
0x84: {  	[tilespmem:s18], [sflag:$0x1] =	stream.indirect.gather [hbm4b:s2+s10], $0x40, s15, s10, $0xb8;
	[tilespmem:$0x15900] =	vst v63  }
0x85: {  	s22 =	sadd.s32 $0x600, s13;
	s20 =	sor.u32 $0x5900, s8  }
0x86: {  	[tilespmem:s20], [sflag:$0x1] =	stream.indirect.gather [hbm4b:s2+s10], $0x40, s22, s10, $0xb8;
	[tilespmem:$0x15900] =	vst v63  }
0x87: {  	s24 =	sadd.s32 $0x680, s13;
	s23 =	sadd.s32 $0x7900, s8  }
0x88: {  	[tilespmem:s23], [sflag:$0x1] =	stream.indirect.gather [hbm4b:s2+s10], $0x40, s24, s10, $0xb8;
	[tilespmem:$0x15900] =	vst v63  }
0x89: {  	s12 =	sadd.s32 $0x700, s13;
	s8 =	sadd.s32 $0x9900, s8  }
0x8a: {  	[tilespmem:s8], [sflag:$0x1] =	stream.indirect.gather [hbm4b:s2+s10], $0x40, s12, s10, $0xb8;
	[tilespmem:$0x15900] =	vst v63  }
0x8b: {  	_ =	swait.ge [sflag:s19], $0x2000  }
0x8c: {  	[sflag:s19] =	ssyncset.done $0x0  }
0x8d: {  	[sflag:s19] =	ssyncadd.s32 $0xFFFFE000  }
0x8e: {  	_ =	swait.ge [sflag:s19], $0x2000  }
0x8f: {  	[sflag:s19] =	ssyncset.done $0x0  }
0x90: {  	[sflag:s19] =	ssyncadd.s32 $0xFFFFE000  }
0x91: {  	_ =	swait.ge [sflag:s19], $0x2000  }
0x92: {  	[sflag:s19] =	ssyncset.done $0x0  }
0x93: {  	[sflag:s19] =	ssyncadd.s32 $0xFFFFE000  }
0x94: {  	_ =	swait.ge [sflag:s19], $0x2000  }
0x95: {  	[sflag:s19] =	ssyncset.done $0x0  }
0x96: {  	[sflag:s19] =	ssyncadd.s32 $0xFFFFE000  }
0x97: {  	_ =	swait.ge [sflag:s19], $0x2000  }
0x98: {  	[sflag:s19] =	ssyncset.done $0x0  }
0x99: {  	s1 =	sadd.s32 $0x1, s1;
	[sflag:s19] =	ssyncadd.s32 $0xFFFFE000  }
0x9a: {  	[hbm4b:s0+s3] =	stream.linear.scatter [tilespmem:s17], [sflag:$0x2], $0xA000, $0x38;
	[tilespmem:$0x15900] =	vst v63  }
0x9b: {  	p0 =	sne.s32 s1, s6;
	_ =	swait.ge [sflag:s31], $0xA000  }
.Ltmp1:
0x9c: {  	[sflag:s31] =	ssyncset.done $0x0;
	(pc) =	sbr.rel @p0 .LBB2_1-.Ltmp1, $4  }
0x9d: {  	[sflag:s31] =	ssyncadd.s32 $0xFFFF6000  }
0x9e: {  	_ =	swait.ge [sflag:s31], $0xA000  }
0x9f: {  	[sflag:s31] =	ssyncset.done $0x0  }
0xa0: {  	[sflag:s31] =	ssyncadd.s32 $0xFFFF6000  }
0xa1: {  	_ =	sfence.sel $0x180000  }
0xa2: {  	[bflag:$0x0] =	sbarrier.arrive $0xFFFF  }
0xa3: {  	_ =	strace $0x90000047  }
0xa4: {  	s0 =	stileid.u32;
	[bflag:$0x2] =	sbarrier.arrive $0xFFFF  }
0xa5: {  	p0 =	sne.s32 s0, $0x0;
	s0 =	rddreg [dreg:$0x2]  }
0xa6: {  	s0 =	sadd.s32 @!p0 $0x100000, s0  }
0xa7: {  	[sflag:s0] =	ssyncadd.tile.s32 @!p0 $0x1;
	_ =	shalt  }
.Lfunc_end2:
_tile_overlayer_lowered:
.L_overlay_start_2:
0xa8: {  	(tag) =	ssettag $0x2  }
0xa9: {  	s0 =	rddreg [dreg:$0x0];
	s2 =	stileid.u32  }
0xaa: {  	s1 =	rddreg [dreg:$0x1];
	p0 =	sne.s32 s2, $0x0  }
0xab: {  	s3 =	rddreg [dreg:$0x2];
	[bflag:$0x3] =	sbarrier.arrive $0xFFFF;
	s2 =	simm.s32 @!p0 $0x1C03  }
0xac: {  	[timem:s3], [sflag:s2] =	dma.local @!p0 [hbm:s0], s1  }
0xad: {  	s0 =	simm.s32 @!p0 $0x3  }
0xae: {  	_ =	swait.ge @!p0 [sflag:s0], s1  }
0xaf: {  	s1 =	ssub.s32 @!p0 $0x0, s1;
	[sflag:s0] =	ssyncset.done @!p0 $0x0  }
0xb0: {  	[sflag:s0] =	ssyncadd.s32 @!p0 s1  }
0xb1: {  	[bflag:$0x3] =	sbarrier.arrive $0xFFFF  }
0xb2: {  	_ =	shalt  }

</sc_bundles>
